<compile_context>
chip_gen: v7x
topology: tpu7x:2x2x1
jax: 0.10.2.dev20260603
libtpu: 0.0.44.dev20260713+nightly
codegen_flags: <defaults>
</compile_context>

<pallas_src>
import functools

import numpy as np
import jax
import jax.numpy as jnp
from jax import lax
from jax.experimental import pallas as pl
from jax.experimental.pallas import tpu as pltpu
from jax.experimental.pallas import tpu_sc as plsc

_LANES = 16
_CHUNK = 128


def _cos_sin_table(seq, d):
    j = np.arange(d)
    angle = (1.0 / np.power(10000.0, 2.0 * (j // 2) / d)).astype(np.float32)
    pos = np.arange(seq, dtype=np.float32)[:, None]
    phase = (pos * angle[None, :]).astype(np.float64)
    return jnp.asarray(
        np.stack([np.cos(phase), np.sin(phase)]).astype(np.float32))


@functools.lru_cache(maxsize=None)
def _build_sc_kernel(seq, n_chunks, d):
    info = plsc.get_sparse_core_info()
    n_workers = info.num_cores * info.num_subcores
    n_tasks = seq * n_chunks
    per_w = n_tasks // n_workers
    assert per_w * n_workers == n_tasks and per_w % 2 == 0
    n_groups = d // _LANES
    batch = n_chunks * _CHUNK
    mesh = plsc.VectorSubcoreMesh(core_axis_name="c", subcore_axis_name="s")

    @functools.partial(
        pl.kernel,
        mesh=mesh,
        out_type=jax.ShapeDtypeStruct((2, batch, seq, d), jnp.float32),
        scratch_types=[
            pltpu.VMEM((_CHUNK,), jnp.int32), pltpu.VMEM((_CHUNK,), jnp.int32),
            pltpu.VMEM((d,), jnp.float32), pltpu.VMEM((d,), jnp.float32),
            pltpu.VMEM((d,), jnp.float32), pltpu.VMEM((d,), jnp.float32),
            pltpu.VMEM((_CHUNK, d), jnp.float32), pltpu.VMEM((_CHUNK, d), jnp.float32),
            pltpu.VMEM((_CHUNK, d), jnp.float32), pltpu.VMEM((_CHUNK, d), jnp.float32),
            pltpu.VMEM((_CHUNK, d), jnp.float32), pltpu.VMEM((_CHUNK, d), jnp.float32),
            pltpu.SemaphoreType.DMA, pltpu.SemaphoreType.DMA,
            pltpu.SemaphoreType.DMA, pltpu.SemaphoreType.DMA,
            pltpu.SemaphoreType.DMA, pltpu.SemaphoreType.DMA,
        ],
    )
    def k(xt_hbm, w_hbm, cs_hbm, out_hbm,
          idx0, idx1, cos0, cos1, sin0, sin1,
          rows0, rows1, real0, real1, ph0, ph1,
          sg0, sg1, si0, si1, so0, so1):
        wid = lax.axis_index("s") * info.num_cores + lax.axis_index("c")
        base = wid * per_w

        def src_pos_chunk(t):
            g = base + t
            return g // n_chunks, g % n_chunks

        def input_copies(t, idx_v, cos_v, sin_v, si):
            pos, ch = src_pos_chunk(t)
            return (
                pltpu.make_async_copy(xt_hbm.at[pos, ch], idx_v, si),
                pltpu.make_async_copy(cs_hbm.at[0, pos], cos_v, si),
                pltpu.make_async_copy(cs_hbm.at[1, pos], sin_v, si),
            )

        def out_copies(t, real_v, ph_v, so):
            pos, ch = src_pos_chunk(t)
            sl = pl.ds(ch * _CHUNK, _CHUNK)
            return (
                pltpu.make_async_copy(real_v, out_hbm.at[0, sl, pos], so),
                pltpu.make_async_copy(ph_v, out_hbm.at[1, sl, pos], so),
            )

        def do_task(t, idx_a, cos_a, sin_a, rows_a, real_a, ph_a, sg_a, so_a, si_a,
                    idx_b, cos_b, sin_b, rows_b, sg_b, si_b):
            @pl.when(t + 1 < per_w)
            def _():
                for c in input_copies(t + 1, idx_b, cos_b, sin_b, si_b):
                    c.wait()
                pltpu.make_async_copy(w_hbm.at[idx_b], rows_b, sg_b).start()

            pltpu.make_async_copy(w_hbm.at[idx_a], rows_a, sg_a).wait()

            cvec = [cos_a[pl.ds(g * _LANES, _LANES)] for g in range(n_groups)]
            svec = [sin_a[pl.ds(g * _LANES, _LANES)] for g in range(n_groups)]

            @pl.when(t + 2 < per_w)
            def _():
                for c in input_copies(t + 2, idx_a, cos_a, sin_a, si_a):
                    c.start()

            @pl.when(t >= 2)
            def _():
                for c in out_copies(t - 2, real_a, ph_a, so_a):
                    c.wait()

            @plsc.parallel_loop(0, _CHUNK, 1, unroll=4)
            def _row(r):
                for g in range(n_groups):
                    sl = pl.ds(g * _LANES, _LANES)
                    v = rows_a[r, sl]
                    real_a[r, sl] = v * cvec[g]
                    ph_a[r, sl] = v * svec[g]

            for c in out_copies(t, real_a, ph_a, so_a):
                c.start()

        for c in input_copies(0, idx0, cos0, sin0, si0):
            c.start()
        for c in input_copies(1, idx1, cos1, sin1, si1):
            c.start()
        for c in input_copies(0, idx0, cos0, sin0, si0):
            c.wait()
        pltpu.make_async_copy(w_hbm.at[idx0], rows0, sg0).start()

        def pair(i, c):
            t0 = 2 * i
            do_task(t0, idx0, cos0, sin0, rows0, real0, ph0, sg0, so0, si0,
                    idx1, cos1, sin1, rows1, sg1, si1)
            do_task(t0 + 1, idx1, cos1, sin1, rows1, real1, ph1, sg1, so1, si1,
                    idx0, cos0, sin0, rows0, sg0, si0)
            return c

        lax.fori_loop(0, per_w // 2, pair, 0)

        for c in out_copies(per_w - 2, real0, ph0, so0):
            c.wait()
        for c in out_copies(per_w - 1, real1, ph1, so1):
            c.wait()

    return k


def kernel(x, W):
    batch, seq = x.shape
    d = W.shape[1]
    xt = x.T.reshape(seq, batch // _CHUNK, _CHUNK)
    cs = _cos_sin_table(seq, d)
    return _build_sc_kernel(seq, batch // _CHUNK, d)(xt, W, cs)

# --- scband reference (transcript-rebuilt; emitter-appended) ---
"""Pipeline reference for scband-complex-embedding-85229331021964 (READ-ONLY COPY).

The authoritative reference and input builder live on the scoring server;
editing this copy changes nothing except your own understanding.
"""

import jax, jax.numpy as jnp
import numpy as np

VOCAB = 100000
D_MODEL = 128
MAX_LEN = 256
PAD_IDX = 1
BATCH = 1024
SEQ = 200


def _sinusoid_table():
    # get_sinusoid_encoding_table: every row is the same angle vector,
    # value[j] = 1 / 10000**(2*(j//2)/d_model); padding_idx row zeroed.
    j = np.arange(D_MODEL)
    angle = 1.0 / np.power(10000.0, 2.0 * (j // 2) / D_MODEL)
    tab = np.tile(angle[None, :], (VOCAB, 1)).astype(np.float32)
    tab[PAD_IDX] = 0.0
    return jnp.asarray(tab)


def setup_inputs(seed: int = 0) -> dict:
    key = jax.random.key(seed)
    k1, k2 = jax.random.split(key)
    x = jax.random.randint(k1, (BATCH, SEQ), 0, VOCAB, dtype=jnp.int32)
    W = jax.random.normal(k2, (VOCAB, D_MODEL), dtype=jnp.float32) * 0.02
    W = W.at[PAD_IDX].set(0.0)  # nn.Embedding padding_idx row
    return {"x": x, "W": W}


def reference(x, W):
    length = x.shape[1]
    pos = jnp.arange(0, MAX_LEN, dtype=jnp.float32)[None, :]  # [1, max_len]
    pos_enc_table = _sinusoid_table()  # frozen buffer
    emb = jnp.take(W, x, axis=0)  # [B, L, d]
    phase = pos[:, :length][:, :, None] * jnp.take(pos_enc_table, x, axis=0)
    out_real = emb * jnp.cos(phase)
    out_phase = emb * jnp.sin(phase)
    # Original forward returns the literal 0 (and prints out_phase); we return
    # the actually-computed tensors stacked so the kernel is meaningful.
    return jnp.stack([out_real, out_phase], axis=0)

if __name__ == "__main__":
    import jax
    _d = setup_inputs()
    print(jax.jit(kernel)(*tuple(_d.values())))

</pallas_src>

<mosaic_0001>
#map = affine_map<(d0, d1) -> (0, 0, 0)>
#map1 = affine_map<(d0, d1) -> (0, 0)>
#map2 = affine_map<(d0, d1) -> (0, 0, 0, 0)>
module attributes {stable_mosaic.version = 14 : i64} {
  func.func @k(%arg0: i32, %arg1: i32, %arg2: memref<200x8x128xi32, #tpu.memory_space<hbm>>, %arg3: memref<100000x128xf32, #tpu.memory_space<hbm>>, %arg4: memref<2x200x128xf32, #tpu.memory_space<hbm>>, %arg5: memref<2x1024x200x128xf32, #tpu.memory_space<hbm>>, %arg6: memref<128xi32, #tpu.memory_space<vmem>>, %arg7: memref<128xi32, #tpu.memory_space<vmem>>, %arg8: memref<128xf32, #tpu.memory_space<vmem>>, %arg9: memref<128xf32, #tpu.memory_space<vmem>>, %arg10: memref<128xf32, #tpu.memory_space<vmem>>, %arg11: memref<128xf32, #tpu.memory_space<vmem>>, %arg12: memref<128x128xf32, #tpu.memory_space<vmem>>, %arg13: memref<128x128xf32, #tpu.memory_space<vmem>>, %arg14: memref<128x128xf32, #tpu.memory_space<vmem>>, %arg15: memref<128x128xf32, #tpu.memory_space<vmem>>, %arg16: memref<128x128xf32, #tpu.memory_space<vmem>>, %arg17: memref<128x128xf32, #tpu.memory_space<vmem>>, %arg18: memref<!tpu.dma_semaphore, #tpu.memory_space<semaphore_mem>>, %arg19: memref<!tpu.dma_semaphore, #tpu.memory_space<semaphore_mem>>, %arg20: memref<!tpu.dma_semaphore, #tpu.memory_space<semaphore_mem>>, %arg21: memref<!tpu.dma_semaphore, #tpu.memory_space<semaphore_mem>>, %arg22: memref<!tpu.dma_semaphore, #tpu.memory_space<semaphore_mem>>, %arg23: memref<!tpu.dma_semaphore, #tpu.memory_space<semaphore_mem>>) attributes {dimension_semantics = [#tpu.dimension_semantics<core_parallel>, #tpu.dimension_semantics<subcore_parallel>], iteration_bounds = array<i64: 2, 16>, scalar_prefetch = 0 : i64, scratch_operands = 18 : i64, tpu.core_type = #tpu.core_type<sc_vector_subcore>, window_params = [{transform_indices = #map}, {transform_indices = #map1}, {transform_indices = #map}, {transform_indices = #map2}]} {
    %mul3A = arith.constant 2 : i32
    %mul3A_0 = arith.muli %arg1, %mul3A : i32
    %add3A = arith.addi %mul3A_0, %arg0 : i32
    %mul3A_1 = arith.constant 50 : i32
    %mul3A_2 = arith.muli %add3A, %mul3A_1 : i32
    %add3A_3 = arith.constant 0 : i32
    %add3A_4 = arith.addi %mul3A_2, %add3A_3 : i32
    %jit3A = arith.constant 8 : i32
    %div3A = arith.divsi %add3A_4, %jit3A : i32
    %sign3A = arith.constant 0 : i32
    %sign3A_5 = arith.cmpi sgt, %add3A_4, %sign3A : i32
    %sign3A_6 = arith.extui %sign3A_5 : i1 to i32
    %sign3A_7 = arith.constant 0 : i32
    %sign3A_8 = arith.cmpi slt, %add3A_4, %sign3A_7 : i32
    %sign3A_9 = arith.extui %sign3A_8 : i1 to i32
    %sign3A_10 = arith.subi %sign3A_6, %sign3A_9 : i32
    %sign3A_11 = arith.constant 0 : i32
    %sign3A_12 = arith.cmpi sgt, %jit3A, %sign3A_11 : i32
    %sign3A_13 = arith.extui %sign3A_12 : i1 to i32
    %sign3A_14 = arith.constant 0 : i32
    %sign3A_15 = arith.cmpi slt, %jit3A, %sign3A_14 : i32
    %sign3A_16 = arith.extui %sign3A_15 : i1 to i32
    %sign3A_17 = arith.subi %sign3A_13, %sign3A_16 : i32
    %ne3A = arith.cmpi ne, %sign3A_10, %sign3A_17 : i32
    %rem3A = arith.remsi %add3A_4, %jit3A : i32
    %ne3A_18 = arith.constant 0 : i32
    %ne3A_19 = arith.cmpi ne, %rem3A, %ne3A_18 : i32
    %and3A = arith.andi %ne3A, %ne3A_19 : i1
    %sub3A = arith.constant 1 : i32
    %sub3A_20 = arith.subi %div3A, %sub3A : i32
    %select_n3A = arith.select %and3A, %sub3A_20, %div3A : i32
    %jit3A_21 = arith.constant 8 : i32
    %eq3A = arith.constant 0 : i32
    %eq3A_22 = arith.cmpi eq, %jit3A_21, %eq3A : i32
    %jit3A_23 = arith.constant 1 : i32
    %select_n3A_24 = arith.select %eq3A_22, %jit3A_23, %jit3A_21 : i32
    %rem3A_25 = arith.remsi %add3A_4, %select_n3A_24 : i32
    %ne3A_26 = arith.constant 0 : i32
    %ne3A_27 = arith.cmpi ne, %rem3A_25, %ne3A_26 : i32
    %lt3A = arith.constant 0 : i32
    %lt3A_28 = arith.cmpi slt, %rem3A_25, %lt3A : i32
    %lt3A_29 = arith.constant 0 : i32
    %lt3A_30 = arith.cmpi slt, %select_n3A_24, %lt3A_29 : i32
    %ne3A_31 = arith.xori %lt3A_28, %lt3A_30 : i1
    %and3A_32 = arith.andi %ne3A_31, %ne3A_27 : i1
    %add3A_33 = arith.addi %rem3A_25, %select_n3A_24 : i32
    %select_n3A_34 = arith.select %and3A_32, %add3A_33, %rem3A_25 : i32
    %dma_start3A = arith.constant 0 : i32
    %dma_start3A_35 = tpu.memref_slice %arg2[%select_n3A, %select_n3A_34, %dma_start3A] : memref<200x8x128xi32, #tpu.memory_space<hbm>> -> memref<1x1x128xi32, #tpu.memory_space<hbm>>
    %dma_start3A_36 = tpu.memref_squeeze %dma_start3A_35 : memref<1x1x128xi32, #tpu.memory_space<hbm>> -> memref<128xi32, #tpu.memory_space<hbm>>
    %dma_start3A_37 = arith.constant 0 : i32
    %dma_start3A_38 = tpu.memref_slice %arg2[%select_n3A, %select_n3A_34, %dma_start3A_37] : memref<200x8x128xi32, #tpu.memory_space<hbm>> -> memref<1x1x128xi32, #tpu.memory_space<hbm>>
    %dma_start3A_39 = tpu.memref_squeeze %dma_start3A_38 : memref<1x1x128xi32, #tpu.memory_space<hbm>> -> memref<128xi32, #tpu.memory_space<hbm>>
    tpu.enqueue_dma source(%dma_start3A_39 : memref<128xi32, #tpu.memory_space<hbm>>) target(%arg6 : memref<128xi32, #tpu.memory_space<vmem>>) target_semaphore(%arg20 : memref<!tpu.dma_semaphore, #tpu.memory_space<semaphore_mem>>)
    %dma_start3A_40 = arith.constant 0 : i32
    %dma_start3A_41 = arith.constant 0 : i32
    %dma_start3A_42 = tpu.memref_slice %arg4[%dma_start3A_40, %select_n3A, %dma_start3A_41] : memref<2x200x128xf32, #tpu.memory_space<hbm>> -> memref<1x1x128xf32, #tpu.memory_space<hbm>>
    %dma_start3A_43 = tpu.memref_squeeze %dma_start3A_42 : memref<1x1x128xf32, #tpu.memory_space<hbm>> -> memref<128xf32, #tpu.memory_space<hbm>>
    %dma_start3A_44 = arith.constant 0 : i32
    %dma_start3A_45 = tpu.memref_slice %arg4[%dma_start3A_40, %select_n3A, %dma_start3A_44] : memref<2x200x128xf32, #tpu.memory_space<hbm>> -> memref<1x1x128xf32, #tpu.memory_space<hbm>>
    %dma_start3A_46 = tpu.memref_squeeze %dma_start3A_45 : memref<1x1x128xf32, #tpu.memory_space<hbm>> -> memref<128xf32, #tpu.memory_space<hbm>>
    tpu.enqueue_dma source(%dma_start3A_46 : memref<128xf32, #tpu.memory_space<hbm>>) target(%arg8 : memref<128xf32, #tpu.memory_space<vmem>>) target_semaphore(%arg20 : memref<!tpu.dma_semaphore, #tpu.memory_space<semaphore_mem>>)
    %dma_start3A_47 = arith.constant 1 : i32
    %dma_start3A_48 = arith.constant 0 : i32
    %dma_start3A_49 = tpu.memref_slice %arg4[%dma_start3A_47, %select_n3A, %dma_start3A_48] : memref<2x200x128xf32, #tpu.memory_space<hbm>> -> memref<1x1x128xf32, #tpu.memory_space<hbm>>
    %dma_start3A_50 = tpu.memref_squeeze %dma_start3A_49 : memref<1x1x128xf32, #tpu.memory_space<hbm>> -> memref<128xf32, #tpu.memory_space<hbm>>
    %dma_start3A_51 = arith.constant 0 : i32
    %dma_start3A_52 = tpu.memref_slice %arg4[%dma_start3A_47, %select_n3A, %dma_start3A_51] : memref<2x200x128xf32, #tpu.memory_space<hbm>> -> memref<1x1x128xf32, #tpu.memory_space<hbm>>
    %dma_start3A_53 = tpu.memref_squeeze %dma_start3A_52 : memref<1x1x128xf32, #tpu.memory_space<hbm>> -> memref<128xf32, #tpu.memory_space<hbm>>
    tpu.enqueue_dma source(%dma_start3A_53 : memref<128xf32, #tpu.memory_space<hbm>>) target(%arg10 : memref<128xf32, #tpu.memory_space<vmem>>) target_semaphore(%arg20 : memref<!tpu.dma_semaphore, #tpu.memory_space<semaphore_mem>>)
    %add3A_54 = arith.constant 1 : i32
    %add3A_55 = arith.addi %mul3A_2, %add3A_54 : i32
    %jit3A_56 = arith.constant 8 : i32
    %div3A_57 = arith.divsi %add3A_55, %jit3A_56 : i32
    %sign3A_58 = arith.constant 0 : i32
    %sign3A_59 = arith.cmpi sgt, %add3A_55, %sign3A_58 : i32
    %sign3A_60 = arith.extui %sign3A_59 : i1 to i32
    %sign3A_61 = arith.constant 0 : i32
    %sign3A_62 = arith.cmpi slt, %add3A_55, %sign3A_61 : i32
    %sign3A_63 = arith.extui %sign3A_62 : i1 to i32
    %sign3A_64 = arith.subi %sign3A_60, %sign3A_63 : i32
    %sign3A_65 = arith.constant 0 : i32
    %sign3A_66 = arith.cmpi sgt, %jit3A_56, %sign3A_65 : i32
    %sign3A_67 = arith.extui %sign3A_66 : i1 to i32
    %sign3A_68 = arith.constant 0 : i32
    %sign3A_69 = arith.cmpi slt, %jit3A_56, %sign3A_68 : i32
    %sign3A_70 = arith.extui %sign3A_69 : i1 to i32
    %sign3A_71 = arith.subi %sign3A_67, %sign3A_70 : i32
    %ne3A_72 = arith.cmpi ne, %sign3A_64, %sign3A_71 : i32
    %rem3A_73 = arith.remsi %add3A_55, %jit3A_56 : i32
    %ne3A_74 = arith.constant 0 : i32
    %ne3A_75 = arith.cmpi ne, %rem3A_73, %ne3A_74 : i32
    %and3A_76 = arith.andi %ne3A_72, %ne3A_75 : i1
    %sub3A_77 = arith.constant 1 : i32
    %sub3A_78 = arith.subi %div3A_57, %sub3A_77 : i32
    %select_n3A_79 = arith.select %and3A_76, %sub3A_78, %div3A_57 : i32
    %jit3A_80 = arith.constant 8 : i32
    %eq3A_81 = arith.constant 0 : i32
    %eq3A_82 = arith.cmpi eq, %jit3A_80, %eq3A_81 : i32
    %jit3A_83 = arith.constant 1 : i32
    %select_n3A_84 = arith.select %eq3A_82, %jit3A_83, %jit3A_80 : i32
    %rem3A_85 = arith.remsi %add3A_55, %select_n3A_84 : i32
    %ne3A_86 = arith.constant 0 : i32
    %ne3A_87 = arith.cmpi ne, %rem3A_85, %ne3A_86 : i32
    %lt3A_88 = arith.constant 0 : i32
    %lt3A_89 = arith.cmpi slt, %rem3A_85, %lt3A_88 : i32
    %lt3A_90 = arith.constant 0 : i32
    %lt3A_91 = arith.cmpi slt, %select_n3A_84, %lt3A_90 : i32
    %ne3A_92 = arith.xori %lt3A_89, %lt3A_91 : i1
    %and3A_93 = arith.andi %ne3A_92, %ne3A_87 : i1
    %add3A_94 = arith.addi %rem3A_85, %select_n3A_84 : i32
    %select_n3A_95 = arith.select %and3A_93, %add3A_94, %rem3A_85 : i32
    %dma_start3A_96 = arith.constant 0 : i32
    %dma_start3A_97 = tpu.memref_slice %arg2[%select_n3A_79, %select_n3A_95, %dma_start3A_96] : memref<200x8x128xi32, #tpu.memory_space<hbm>> -> memref<1x1x128xi32, #tpu.memory_space<hbm>>
    %dma_start3A_98 = tpu.memref_squeeze %dma_start3A_97 : memref<1x1x128xi32, #tpu.memory_space<hbm>> -> memref<128xi32, #tpu.memory_space<hbm>>
    %dma_start3A_99 = arith.constant 0 : i32
    %dma_start3A_100 = tpu.memref_slice %arg2[%select_n3A_79, %select_n3A_95, %dma_start3A_99] : memref<200x8x128xi32, #tpu.memory_space<hbm>> -> memref<1x1x128xi32, #tpu.memory_space<hbm>>
    %dma_start3A_101 = tpu.memref_squeeze %dma_start3A_100 : memref<1x1x128xi32, #tpu.memory_space<hbm>> -> memref<128xi32, #tpu.memory_space<hbm>>
    tpu.enqueue_dma source(%dma_start3A_101 : memref<128xi32, #tpu.memory_space<hbm>>) target(%arg7 : memref<128xi32, #tpu.memory_space<vmem>>) target_semaphore(%arg21 : memref<!tpu.dma_semaphore, #tpu.memory_space<semaphore_mem>>)
    %dma_start3A_102 = arith.constant 0 : i32
    %dma_start3A_103 = arith.constant 0 : i32
    %dma_start3A_104 = tpu.memref_slice %arg4[%dma_start3A_102, %select_n3A_79, %dma_start3A_103] : memref<2x200x128xf32, #tpu.memory_space<hbm>> -> memref<1x1x128xf32, #tpu.memory_space<hbm>>
    %dma_start3A_105 = tpu.memref_squeeze %dma_start3A_104 : memref<1x1x128xf32, #tpu.memory_space<hbm>> -> memref<128xf32, #tpu.memory_space<hbm>>
    %dma_start3A_106 = arith.constant 0 : i32
    %dma_start3A_107 = tpu.memref_slice %arg4[%dma_start3A_102, %select_n3A_79, %dma_start3A_106] : memref<2x200x128xf32, #tpu.memory_space<hbm>> -> memref<1x1x128xf32, #tpu.memory_space<hbm>>
    %dma_start3A_108 = tpu.memref_squeeze %dma_start3A_107 : memref<1x1x128xf32, #tpu.memory_space<hbm>> -> memref<128xf32, #tpu.memory_space<hbm>>
    tpu.enqueue_dma source(%dma_start3A_108 : memref<128xf32, #tpu.memory_space<hbm>>) target(%arg9 : memref<128xf32, #tpu.memory_space<vmem>>) target_semaphore(%arg21 : memref<!tpu.dma_semaphore, #tpu.memory_space<semaphore_mem>>)
    %dma_start3A_109 = arith.constant 1 : i32
    %dma_start3A_110 = arith.constant 0 : i32
    %dma_start3A_111 = tpu.memref_slice %arg4[%dma_start3A_109, %select_n3A_79, %dma_start3A_110] : memref<2x200x128xf32, #tpu.memory_space<hbm>> -> memref<1x1x128xf32, #tpu.memory_space<hbm>>
    %dma_start3A_112 = tpu.memref_squeeze %dma_start3A_111 : memref<1x1x128xf32, #tpu.memory_space<hbm>> -> memref<128xf32, #tpu.memory_space<hbm>>
    %dma_start3A_113 = arith.constant 0 : i32
    %dma_start3A_114 = tpu.memref_slice %arg4[%dma_start3A_109, %select_n3A_79, %dma_start3A_113] : memref<2x200x128xf32, #tpu.memory_space<hbm>> -> memref<1x1x128xf32, #tpu.memory_space<hbm>>
    %dma_start3A_115 = tpu.memref_squeeze %dma_start3A_114 : memref<1x1x128xf32, #tpu.memory_space<hbm>> -> memref<128xf32, #tpu.memory_space<hbm>>
    tpu.enqueue_dma source(%dma_start3A_115 : memref<128xf32, #tpu.memory_space<hbm>>) target(%arg11 : memref<128xf32, #tpu.memory_space<vmem>>) target_semaphore(%arg21 : memref<!tpu.dma_semaphore, #tpu.memory_space<semaphore_mem>>)
    %add3A_116 = arith.constant 0 : i32
    %add3A_117 = arith.addi %mul3A_2, %add3A_116 : i32
    %jit3A_118 = arith.constant 8 : i32
    %div3A_119 = arith.divsi %add3A_117, %jit3A_118 : i32
    %sign3A_120 = arith.constant 0 : i32
    %sign3A_121 = arith.cmpi sgt, %add3A_117, %sign3A_120 : i32
    %sign3A_122 = arith.extui %sign3A_121 : i1 to i32
    %sign3A_123 = arith.constant 0 : i32
    %sign3A_124 = arith.cmpi slt, %add3A_117, %sign3A_123 : i32
    %sign3A_125 = arith.extui %sign3A_124 : i1 to i32
    %sign3A_126 = arith.subi %sign3A_122, %sign3A_125 : i32
    %sign3A_127 = arith.constant 0 : i32
    %sign3A_128 = arith.cmpi sgt, %jit3A_118, %sign3A_127 : i32
    %sign3A_129 = arith.extui %sign3A_128 : i1 to i32
    %sign3A_130 = arith.constant 0 : i32
    %sign3A_131 = arith.cmpi slt, %jit3A_118, %sign3A_130 : i32
    %sign3A_132 = arith.extui %sign3A_131 : i1 to i32
    %sign3A_133 = arith.subi %sign3A_129, %sign3A_132 : i32
    %ne3A_134 = arith.cmpi ne, %sign3A_126, %sign3A_133 : i32
    %rem3A_135 = arith.remsi %add3A_117, %jit3A_118 : i32
    %ne3A_136 = arith.constant 0 : i32
    %ne3A_137 = arith.cmpi ne, %rem3A_135, %ne3A_136 : i32
    %and3A_138 = arith.andi %ne3A_134, %ne3A_137 : i1
    %sub3A_139 = arith.constant 1 : i32
    %sub3A_140 = arith.subi %div3A_119, %sub3A_139 : i32
    %select_n3A_141 = arith.select %and3A_138, %sub3A_140, %div3A_119 : i32
    %jit3A_142 = arith.constant 8 : i32
    %eq3A_143 = arith.constant 0 : i32
    %eq3A_144 = arith.cmpi eq, %jit3A_142, %eq3A_143 : i32
    %jit3A_145 = arith.constant 1 : i32
    %select_n3A_146 = arith.select %eq3A_144, %jit3A_145, %jit3A_142 : i32
    %rem3A_147 = arith.remsi %add3A_117, %select_n3A_146 : i32
    %ne3A_148 = arith.constant 0 : i32
    %ne3A_149 = arith.cmpi ne, %rem3A_147, %ne3A_148 : i32
    %lt3A_150 = arith.constant 0 : i32
    %lt3A_151 = arith.cmpi slt, %rem3A_147, %lt3A_150 : i32
    %lt3A_152 = arith.constant 0 : i32
    %lt3A_153 = arith.cmpi slt, %select_n3A_146, %lt3A_152 : i32
    %ne3A_154 = arith.xori %lt3A_151, %lt3A_153 : i1
    %and3A_155 = arith.andi %ne3A_154, %ne3A_149 : i1
    %add3A_156 = arith.addi %rem3A_147, %select_n3A_146 : i32
    %select_n3A_157 = arith.select %and3A_155, %add3A_156, %rem3A_147 : i32
    %dma_wait3A = arith.constant 0 : i32
    %dma_wait3A_158 = tpu.memref_slice %arg2[%select_n3A_141, %select_n3A_157, %dma_wait3A] : memref<200x8x128xi32, #tpu.memory_space<hbm>> -> memref<1x1x128xi32, #tpu.memory_space<hbm>>
    %dma_wait3A_159 = tpu.memref_squeeze %dma_wait3A_158 : memref<1x1x128xi32, #tpu.memory_space<hbm>> -> memref<128xi32, #tpu.memory_space<hbm>>
    %dma_wait3A_160 = arith.constant 0 : i32
    %dma_wait3A_161 = tpu.memref_slice %arg2[%select_n3A_141, %select_n3A_157, %dma_wait3A_160] : memref<200x8x128xi32, #tpu.memory_space<hbm>> -> memref<1x1x128xi32, #tpu.memory_space<hbm>>
    %dma_wait3A_162 = tpu.memref_squeeze %dma_wait3A_161 : memref<1x1x128xi32, #tpu.memory_space<hbm>> -> memref<128xi32, #tpu.memory_space<hbm>>
    tpu.wait_dma2 semaphore(%arg20 : memref<!tpu.dma_semaphore, #tpu.memory_space<semaphore_mem>>) src(%dma_wait3A_162 : memref<128xi32, #tpu.memory_space<hbm>>) dst(%arg6 : memref<128xi32, #tpu.memory_space<vmem>>)
    %dma_wait3A_163 = arith.constant 0 : i32
    %dma_wait3A_164 = arith.constant 0 : i32
    %dma_wait3A_165 = tpu.memref_slice %arg4[%dma_wait3A_163, %select_n3A_141, %dma_wait3A_164] : memref<2x200x128xf32, #tpu.memory_space<hbm>> -> memref<1x1x128xf32, #tpu.memory_space<hbm>>
    %dma_wait3A_166 = tpu.memref_squeeze %dma_wait3A_165 : memref<1x1x128xf32, #tpu.memory_space<hbm>> -> memref<128xf32, #tpu.memory_space<hbm>>
    %dma_wait3A_167 = arith.constant 0 : i32
    %dma_wait3A_168 = tpu.memref_slice %arg4[%dma_wait3A_163, %select_n3A_141, %dma_wait3A_167] : memref<2x200x128xf32, #tpu.memory_space<hbm>> -> memref<1x1x128xf32, #tpu.memory_space<hbm>>
    %dma_wait3A_169 = tpu.memref_squeeze %dma_wait3A_168 : memref<1x1x128xf32, #tpu.memory_space<hbm>> -> memref<128xf32, #tpu.memory_space<hbm>>
    tpu.wait_dma2 semaphore(%arg20 : memref<!tpu.dma_semaphore, #tpu.memory_space<semaphore_mem>>) src(%dma_wait3A_169 : memref<128xf32, #tpu.memory_space<hbm>>) dst(%arg8 : memref<128xf32, #tpu.memory_space<vmem>>)
    %dma_wait3A_170 = arith.constant 1 : i32
    %dma_wait3A_171 = arith.constant 0 : i32
    %dma_wait3A_172 = tpu.memref_slice %arg4[%dma_wait3A_170, %select_n3A_141, %dma_wait3A_171] : memref<2x200x128xf32, #tpu.memory_space<hbm>> -> memref<1x1x128xf32, #tpu.memory_space<hbm>>
    %dma_wait3A_173 = tpu.memref_squeeze %dma_wait3A_172 : memref<1x1x128xf32, #tpu.memory_space<hbm>> -> memref<128xf32, #tpu.memory_space<hbm>>
    %dma_wait3A_174 = arith.constant 0 : i32
    %dma_wait3A_175 = tpu.memref_slice %arg4[%dma_wait3A_170, %select_n3A_141, %dma_wait3A_174] : memref<2x200x128xf32, #tpu.memory_space<hbm>> -> memref<1x1x128xf32, #tpu.memory_space<hbm>>
    %dma_wait3A_176 = tpu.memref_squeeze %dma_wait3A_175 : memref<1x1x128xf32, #tpu.memory_space<hbm>> -> memref<128xf32, #tpu.memory_space<hbm>>
    tpu.wait_dma2 semaphore(%arg20 : memref<!tpu.dma_semaphore, #tpu.memory_space<semaphore_mem>>) src(%dma_wait3A_176 : memref<128xf32, #tpu.memory_space<hbm>>) dst(%arg10 : memref<128xf32, #tpu.memory_space<vmem>>)
    %dma_start3A_177 = arith.constant 0 : i32
    %dma_start3A_178 = arith.constant 0 : i32
    %dma_start3A_179 = tpu.memref_slice %arg3[%dma_start3A_177, %dma_start3A_178] : memref<100000x128xf32, #tpu.memory_space<hbm>> -> memref<100000x128xf32, #tpu.memory_space<hbm>>
    tpu.enqueue_indirect_dma source(%dma_start3A_179 : memref<100000x128xf32, #tpu.memory_space<hbm>>) target(%arg12 : memref<128x128xf32, #tpu.memory_space<vmem>>) offsets(%arg6 : memref<128xi32, #tpu.memory_space<vmem>>) semaphore(%arg18 : memref<!tpu.dma_semaphore, #tpu.memory_space<semaphore_mem>>)
    %scan3A = arith.constant 0 : i32
    %scan3A_180 = arith.constant 0 : i32
    %scan3A_181 = arith.constant 25 : i32
    %scan3A_182 = arith.addi %scan3A_180, %scan3A_181 : i32
    %scan3A_183 = arith.constant 1 : i32
    scf.for %scan3A_301 = %scan3A_180 to %scan3A_182 step %scan3A_183  : i32 {
      %mul3A_302 = arith.constant 2 : i32
      %mul3A_303 = arith.muli %mul3A_302, %scan3A_301 : i32
      %add3A_304 = arith.constant 1 : i32
      %add3A_305 = arith.addi %mul3A_303, %add3A_304 : i32
      %lt3A_306 = arith.constant 50 : i32
      %lt3A_307 = arith.cmpi slt, %add3A_305, %lt3A_306 : i32
      %convert_element_type3A = arith.extui %lt3A_307 : i1 to i32
      %cond3A = arith.constant 0 : i32
      %cond3A_308 = arith.cmpi ne, %convert_element_type3A, %cond3A : i32
      scf.if %cond3A_308 {
        %add3A_561 = arith.constant 1 : i32
        %add3A_562 = arith.addi %mul3A_303, %add3A_561 : i32
        %add3A_563 = arith.addi %mul3A_2, %add3A_562 : i32
        %jit3A_564 = arith.constant 8 : i32
        %div3A_565 = arith.divsi %add3A_563, %jit3A_564 : i32
        %sign3A_566 = arith.constant 0 : i32
        %sign3A_567 = arith.cmpi sgt, %add3A_563, %sign3A_566 : i32
        %sign3A_568 = arith.extui %sign3A_567 : i1 to i32
        %sign3A_569 = arith.constant 0 : i32
        %sign3A_570 = arith.cmpi slt, %add3A_563, %sign3A_569 : i32
        %sign3A_571 = arith.extui %sign3A_570 : i1 to i32
        %sign3A_572 = arith.subi %sign3A_568, %sign3A_571 : i32
        %sign3A_573 = arith.constant 0 : i32
        %sign3A_574 = arith.cmpi sgt, %jit3A_564, %sign3A_573 : i32
        %sign3A_575 = arith.extui %sign3A_574 : i1 to i32
        %sign3A_576 = arith.constant 0 : i32
        %sign3A_577 = arith.cmpi slt, %jit3A_564, %sign3A_576 : i32
        %sign3A_578 = arith.extui %sign3A_577 : i1 to i32
        %sign3A_579 = arith.subi %sign3A_575, %sign3A_578 : i32
        %ne3A_580 = arith.cmpi ne, %sign3A_572, %sign3A_579 : i32
        %rem3A_581 = arith.remsi %add3A_563, %jit3A_564 : i32
        %ne3A_582 = arith.constant 0 : i32
        %ne3A_583 = arith.cmpi ne, %rem3A_581, %ne3A_582 : i32
        %and3A_584 = arith.andi %ne3A_580, %ne3A_583 : i1
        %sub3A_585 = arith.constant 1 : i32
        %sub3A_586 = arith.subi %div3A_565, %sub3A_585 : i32
        %select_n3A_587 = arith.select %and3A_584, %sub3A_586, %div3A_565 : i32
        %jit3A_588 = arith.constant 8 : i32
        %eq3A_589 = arith.constant 0 : i32
        %eq3A_590 = arith.cmpi eq, %jit3A_588, %eq3A_589 : i32
        %jit3A_591 = arith.constant 1 : i32
        %select_n3A_592 = arith.select %eq3A_590, %jit3A_591, %jit3A_588 : i32
        %rem3A_593 = arith.remsi %add3A_563, %select_n3A_592 : i32
        %ne3A_594 = arith.constant 0 : i32
        %ne3A_595 = arith.cmpi ne, %rem3A_593, %ne3A_594 : i32
        %lt3A_596 = arith.constant 0 : i32
        %lt3A_597 = arith.cmpi slt, %rem3A_593, %lt3A_596 : i32
        %lt3A_598 = arith.constant 0 : i32
        %lt3A_599 = arith.cmpi slt, %select_n3A_592, %lt3A_598 : i32
        %ne3A_600 = arith.xori %lt3A_597, %lt3A_599 : i1
        %and3A_601 = arith.andi %ne3A_600, %ne3A_595 : i1
        %add3A_602 = arith.addi %rem3A_593, %select_n3A_592 : i32
        %select_n3A_603 = arith.select %and3A_601, %add3A_602, %rem3A_593 : i32
        %dma_wait3A_604 = arith.constant 0 : i32
        %dma_wait3A_605 = tpu.memref_slice %arg2[%select_n3A_587, %select_n3A_603, %dma_wait3A_604] : memref<200x8x128xi32, #tpu.memory_space<hbm>> -> memref<1x1x128xi32, #tpu.memory_space<hbm>>
        %dma_wait3A_606 = tpu.memref_squeeze %dma_wait3A_605 : memref<1x1x128xi32, #tpu.memory_space<hbm>> -> memref<128xi32, #tpu.memory_space<hbm>>
        %dma_wait3A_607 = arith.constant 0 : i32
        %dma_wait3A_608 = tpu.memref_slice %arg2[%select_n3A_587, %select_n3A_603, %dma_wait3A_607] : memref<200x8x128xi32, #tpu.memory_space<hbm>> -> memref<1x1x128xi32, #tpu.memory_space<hbm>>
        %dma_wait3A_609 = tpu.memref_squeeze %dma_wait3A_608 : memref<1x1x128xi32, #tpu.memory_space<hbm>> -> memref<128xi32, #tpu.memory_space<hbm>>
        tpu.wait_dma2 semaphore(%arg21 : memref<!tpu.dma_semaphore, #tpu.memory_space<semaphore_mem>>) src(%dma_wait3A_609 : memref<128xi32, #tpu.memory_space<hbm>>) dst(%arg7 : memref<128xi32, #tpu.memory_space<vmem>>)
        %dma_wait3A_610 = arith.constant 0 : i32
        %dma_wait3A_611 = arith.constant 0 : i32
        %dma_wait3A_612 = tpu.memref_slice %arg4[%dma_wait3A_610, %select_n3A_587, %dma_wait3A_611] : memref<2x200x128xf32, #tpu.memory_space<hbm>> -> memref<1x1x128xf32, #tpu.memory_space<hbm>>
        %dma_wait3A_613 = tpu.memref_squeeze %dma_wait3A_612 : memref<1x1x128xf32, #tpu.memory_space<hbm>> -> memref<128xf32, #tpu.memory_space<hbm>>
        %dma_wait3A_614 = arith.constant 0 : i32
        %dma_wait3A_615 = tpu.memref_slice %arg4[%dma_wait3A_610, %select_n3A_587, %dma_wait3A_614] : memref<2x200x128xf32, #tpu.memory_space<hbm>> -> memref<1x1x128xf32, #tpu.memory_space<hbm>>
        %dma_wait3A_616 = tpu.memref_squeeze %dma_wait3A_615 : memref<1x1x128xf32, #tpu.memory_space<hbm>> -> memref<128xf32, #tpu.memory_space<hbm>>
        tpu.wait_dma2 semaphore(%arg21 : memref<!tpu.dma_semaphore, #tpu.memory_space<semaphore_mem>>) src(%dma_wait3A_616 : memref<128xf32, #tpu.memory_space<hbm>>) dst(%arg9 : memref<128xf32, #tpu.memory_space<vmem>>)
        %dma_wait3A_617 = arith.constant 1 : i32
        %dma_wait3A_618 = arith.constant 0 : i32
        %dma_wait3A_619 = tpu.memref_slice %arg4[%dma_wait3A_617, %select_n3A_587, %dma_wait3A_618] : memref<2x200x128xf32, #tpu.memory_space<hbm>> -> memref<1x1x128xf32, #tpu.memory_space<hbm>>
        %dma_wait3A_620 = tpu.memref_squeeze %dma_wait3A_619 : memref<1x1x128xf32, #tpu.memory_space<hbm>> -> memref<128xf32, #tpu.memory_space<hbm>>
        %dma_wait3A_621 = arith.constant 0 : i32
        %dma_wait3A_622 = tpu.memref_slice %arg4[%dma_wait3A_617, %select_n3A_587, %dma_wait3A_621] : memref<2x200x128xf32, #tpu.memory_space<hbm>> -> memref<1x1x128xf32, #tpu.memory_space<hbm>>
        %dma_wait3A_623 = tpu.memref_squeeze %dma_wait3A_622 : memref<1x1x128xf32, #tpu.memory_space<hbm>> -> memref<128xf32, #tpu.memory_space<hbm>>
        tpu.wait_dma2 semaphore(%arg21 : memref<!tpu.dma_semaphore, #tpu.memory_space<semaphore_mem>>) src(%dma_wait3A_623 : memref<128xf32, #tpu.memory_space<hbm>>) dst(%arg11 : memref<128xf32, #tpu.memory_space<vmem>>)
        %dma_start3A_624 = arith.constant 0 : i32
        %dma_start3A_625 = arith.constant 0 : i32
        %dma_start3A_626 = tpu.memref_slice %arg3[%dma_start3A_624, %dma_start3A_625] : memref<100000x128xf32, #tpu.memory_space<hbm>> -> memref<100000x128xf32, #tpu.memory_space<hbm>>
        tpu.enqueue_indirect_dma source(%dma_start3A_626 : memref<100000x128xf32, #tpu.memory_space<hbm>>) target(%arg13 : memref<128x128xf32, #tpu.memory_space<vmem>>) offsets(%arg7 : memref<128xi32, #tpu.memory_space<vmem>>) semaphore(%arg19 : memref<!tpu.dma_semaphore, #tpu.memory_space<semaphore_mem>>)
      } else {
      }
      %dma_wait3A_309 = arith.constant 0 : i32
      %dma_wait3A_310 = arith.constant 0 : i32
      %dma_wait3A_311 = tpu.memref_slice %arg3[%dma_wait3A_309, %dma_wait3A_310] : memref<100000x128xf32, #tpu.memory_space<hbm>> -> memref<100000x128xf32, #tpu.memory_space<hbm>>
      tpu.wait_indirect_dma semaphore(%arg18 : memref<!tpu.dma_semaphore, #tpu.memory_space<semaphore_mem>>) src(%dma_wait3A_311 : memref<100000x128xf32, #tpu.memory_space<hbm>>) dst(%arg12 : memref<128x128xf32, #tpu.memory_space<vmem>>)
      %get3A = arith.constant 0 : index
      %get3A_312 = tpu.vector_load %arg8[%get3A] {strides = array<i32>} : memref<128xf32, #tpu.memory_space<vmem>>, vector<16xf32>,
      %get3A_313 = vector.shape_cast %get3A_312 : vector<16xf32> to vector<16xf32>
      %get3A_314 = arith.constant 16 : index
      %get3A_315 = tpu.vector_load %arg8[%get3A_314] {strides = array<i32>} : memref<128xf32, #tpu.memory_space<vmem>>, vector<16xf32>,
      %get3A_316 = vector.shape_cast %get3A_315 : vector<16xf32> to vector<16xf32>
      %get3A_317 = arith.constant 32 : index
      %get3A_318 = tpu.vector_load %arg8[%get3A_317] {strides = array<i32>} : memref<128xf32, #tpu.memory_space<vmem>>, vector<16xf32>,
      %get3A_319 = vector.shape_cast %get3A_318 : vector<16xf32> to vector<16xf32>
      %get3A_320 = arith.constant 48 : index
      %get3A_321 = tpu.vector_load %arg8[%get3A_320] {strides = array<i32>} : memref<128xf32, #tpu.memory_space<vmem>>, vector<16xf32>,
      %get3A_322 = vector.shape_cast %get3A_321 : vector<16xf32> to vector<16xf32>
      %get3A_323 = arith.constant 64 : index
      %get3A_324 = tpu.vector_load %arg8[%get3A_323] {strides = array<i32>} : memref<128xf32, #tpu.memory_space<vmem>>, vector<16xf32>,
      %get3A_325 = vector.shape_cast %get3A_324 : vector<16xf32> to vector<16xf32>
      %get3A_326 = arith.constant 80 : index
      %get3A_327 = tpu.vector_load %arg8[%get3A_326] {strides = array<i32>} : memref<128xf32, #tpu.memory_space<vmem>>, vector<16xf32>,
      %get3A_328 = vector.shape_cast %get3A_327 : vector<16xf32> to vector<16xf32>
      %get3A_329 = arith.constant 96 : index
      %get3A_330 = tpu.vector_load %arg8[%get3A_329] {strides = array<i32>} : memref<128xf32, #tpu.memory_space<vmem>>, vector<16xf32>,
      %get3A_331 = vector.shape_cast %get3A_330 : vector<16xf32> to vector<16xf32>
      %get3A_332 = arith.constant 112 : index
      %get3A_333 = tpu.vector_load %arg8[%get3A_332] {strides = array<i32>} : memref<128xf32, #tpu.memory_space<vmem>>, vector<16xf32>,
      %get3A_334 = vector.shape_cast %get3A_333 : vector<16xf32> to vector<16xf32>
      %get3A_335 = arith.constant 0 : index
      %get3A_336 = tpu.vector_load %arg10[%get3A_335] {strides = array<i32>} : memref<128xf32, #tpu.memory_space<vmem>>, vector<16xf32>,
      %get3A_337 = vector.shape_cast %get3A_336 : vector<16xf32> to vector<16xf32>
      %get3A_338 = arith.constant 16 : index
      %get3A_339 = tpu.vector_load %arg10[%get3A_338] {strides = array<i32>} : memref<128xf32, #tpu.memory_space<vmem>>, vector<16xf32>,
      %get3A_340 = vector.shape_cast %get3A_339 : vector<16xf32> to vector<16xf32>
      %get3A_341 = arith.constant 32 : index
      %get3A_342 = tpu.vector_load %arg10[%get3A_341] {strides = array<i32>} : memref<128xf32, #tpu.memory_space<vmem>>, vector<16xf32>,
      %get3A_343 = vector.shape_cast %get3A_342 : vector<16xf32> to vector<16xf32>
      %get3A_344 = arith.constant 48 : index
      %get3A_345 = tpu.vector_load %arg10[%get3A_344] {strides = array<i32>} : memref<128xf32, #tpu.memory_space<vmem>>, vector<16xf32>,
      %get3A_346 = vector.shape_cast %get3A_345 : vector<16xf32> to vector<16xf32>
      %get3A_347 = arith.constant 64 : index
      %get3A_348 = tpu.vector_load %arg10[%get3A_347] {strides = array<i32>} : memref<128xf32, #tpu.memory_space<vmem>>, vector<16xf32>,
      %get3A_349 = vector.shape_cast %get3A_348 : vector<16xf32> to vector<16xf32>
      %get3A_350 = arith.constant 80 : index
      %get3A_351 = tpu.vector_load %arg10[%get3A_350] {strides = array<i32>} : memref<128xf32, #tpu.memory_space<vmem>>, vector<16xf32>,
      %get3A_352 = vector.shape_cast %get3A_351 : vector<16xf32> to vector<16xf32>
      %get3A_353 = arith.constant 96 : index
      %get3A_354 = tpu.vector_load %arg10[%get3A_353] {strides = array<i32>} : memref<128xf32, #tpu.memory_space<vmem>>, vector<16xf32>,
      %get3A_355 = vector.shape_cast %get3A_354 : vector<16xf32> to vector<16xf32>
      %get3A_356 = arith.constant 112 : index
      %get3A_357 = tpu.vector_load %arg10[%get3A_356] {strides = array<i32>} : memref<128xf32, #tpu.memory_space<vmem>>, vector<16xf32>,
      %get3A_358 = vector.shape_cast %get3A_357 : vector<16xf32> to vector<16xf32>
      %add3A_359 = arith.constant 2 : i32
      %add3A_360 = arith.addi %mul3A_303, %add3A_359 : i32
      %lt3A_361 = arith.constant 50 : i32
      %lt3A_362 = arith.cmpi slt, %add3A_360, %lt3A_361 : i32
      %convert_element_type3A_363 = arith.extui %lt3A_362 : i1 to i32
      %cond3A_364 = arith.constant 0 : i32
      %cond3A_365 = arith.cmpi ne, %convert_element_type3A_363, %cond3A_364 : i32
      scf.if %cond3A_365 {
        %add3A_561 = arith.constant 2 : i32
        %add3A_562 = arith.addi %mul3A_303, %add3A_561 : i32
        %add3A_563 = arith.addi %mul3A_2, %add3A_562 : i32
        %jit3A_564 = arith.constant 8 : i32
        %div3A_565 = arith.divsi %add3A_563, %jit3A_564 : i32
        %sign3A_566 = arith.constant 0 : i32
        %sign3A_567 = arith.cmpi sgt, %add3A_563, %sign3A_566 : i32
        %sign3A_568 = arith.extui %sign3A_567 : i1 to i32
        %sign3A_569 = arith.constant 0 : i32
        %sign3A_570 = arith.cmpi slt, %add3A_563, %sign3A_569 : i32
        %sign3A_571 = arith.extui %sign3A_570 : i1 to i32
        %sign3A_572 = arith.subi %sign3A_568, %sign3A_571 : i32
        %sign3A_573 = arith.constant 0 : i32
        %sign3A_574 = arith.cmpi sgt, %jit3A_564, %sign3A_573 : i32
        %sign3A_575 = arith.extui %sign3A_574 : i1 to i32
        %sign3A_576 = arith.constant 0 : i32
        %sign3A_577 = arith.cmpi slt, %jit3A_564, %sign3A_576 : i32
        %sign3A_578 = arith.extui %sign3A_577 : i1 to i32
        %sign3A_579 = arith.subi %sign3A_575, %sign3A_578 : i32
        %ne3A_580 = arith.cmpi ne, %sign3A_572, %sign3A_579 : i32
        %rem3A_581 = arith.remsi %add3A_563, %jit3A_564 : i32
        %ne3A_582 = arith.constant 0 : i32
        %ne3A_583 = arith.cmpi ne, %rem3A_581, %ne3A_582 : i32
        %and3A_584 = arith.andi %ne3A_580, %ne3A_583 : i1
        %sub3A_585 = arith.constant 1 : i32
        %sub3A_586 = arith.subi %div3A_565, %sub3A_585 : i32
        %select_n3A_587 = arith.select %and3A_584, %sub3A_586, %div3A_565 : i32
        %jit3A_588 = arith.constant 8 : i32
        %eq3A_589 = arith.constant 0 : i32
        %eq3A_590 = arith.cmpi eq, %jit3A_588, %eq3A_589 : i32
        %jit3A_591 = arith.constant 1 : i32
        %select_n3A_592 = arith.select %eq3A_590, %jit3A_591, %jit3A_588 : i32
        %rem3A_593 = arith.remsi %add3A_563, %select_n3A_592 : i32
        %ne3A_594 = arith.constant 0 : i32
        %ne3A_595 = arith.cmpi ne, %rem3A_593, %ne3A_594 : i32
        %lt3A_596 = arith.constant 0 : i32
        %lt3A_597 = arith.cmpi slt, %rem3A_593, %lt3A_596 : i32
        %lt3A_598 = arith.constant 0 : i32
        %lt3A_599 = arith.cmpi slt, %select_n3A_592, %lt3A_598 : i32
        %ne3A_600 = arith.xori %lt3A_597, %lt3A_599 : i1
        %and3A_601 = arith.andi %ne3A_600, %ne3A_595 : i1
        %add3A_602 = arith.addi %rem3A_593, %select_n3A_592 : i32
        %select_n3A_603 = arith.select %and3A_601, %add3A_602, %rem3A_593 : i32
        %dma_start3A_604 = arith.constant 0 : i32
        %dma_start3A_605 = tpu.memref_slice %arg2[%select_n3A_587, %select_n3A_603, %dma_start3A_604] : memref<200x8x128xi32, #tpu.memory_space<hbm>> -> memref<1x1x128xi32, #tpu.memory_space<hbm>>
        %dma_start3A_606 = tpu.memref_squeeze %dma_start3A_605 : memref<1x1x128xi32, #tpu.memory_space<hbm>> -> memref<128xi32, #tpu.memory_space<hbm>>
        %dma_start3A_607 = arith.constant 0 : i32
        %dma_start3A_608 = tpu.memref_slice %arg2[%select_n3A_587, %select_n3A_603, %dma_start3A_607] : memref<200x8x128xi32, #tpu.memory_space<hbm>> -> memref<1x1x128xi32, #tpu.memory_space<hbm>>
        %dma_start3A_609 = tpu.memref_squeeze %dma_start3A_608 : memref<1x1x128xi32, #tpu.memory_space<hbm>> -> memref<128xi32, #tpu.memory_space<hbm>>
        tpu.enqueue_dma source(%dma_start3A_609 : memref<128xi32, #tpu.memory_space<hbm>>) target(%arg6 : memref<128xi32, #tpu.memory_space<vmem>>) target_semaphore(%arg20 : memref<!tpu.dma_semaphore, #tpu.memory_space<semaphore_mem>>)
        %dma_start3A_610 = arith.constant 0 : i32
        %dma_start3A_611 = arith.constant 0 : i32
        %dma_start3A_612 = tpu.memref_slice %arg4[%dma_start3A_610, %select_n3A_587, %dma_start3A_611] : memref<2x200x128xf32, #tpu.memory_space<hbm>> -> memref<1x1x128xf32, #tpu.memory_space<hbm>>
        %dma_start3A_613 = tpu.memref_squeeze %dma_start3A_612 : memref<1x1x128xf32, #tpu.memory_space<hbm>> -> memref<128xf32, #tpu.memory_space<hbm>>
        %dma_start3A_614 = arith.constant 0 : i32
        %dma_start3A_615 = tpu.memref_slice %arg4[%dma_start3A_610, %select_n3A_587, %dma_start3A_614] : memref<2x200x128xf32, #tpu.memory_space<hbm>> -> memref<1x1x128xf32, #tpu.memory_space<hbm>>
        %dma_start3A_616 = tpu.memref_squeeze %dma_start3A_615 : memref<1x1x128xf32, #tpu.memory_space<hbm>> -> memref<128xf32, #tpu.memory_space<hbm>>
        tpu.enqueue_dma source(%dma_start3A_616 : memref<128xf32, #tpu.memory_space<hbm>>) target(%arg8 : memref<128xf32, #tpu.memory_space<vmem>>) target_semaphore(%arg20 : memref<!tpu.dma_semaphore, #tpu.memory_space<semaphore_mem>>)
        %dma_start3A_617 = arith.constant 1 : i32
        %dma_start3A_618 = arith.constant 0 : i32
        %dma_start3A_619 = tpu.memref_slice %arg4[%dma_start3A_617, %select_n3A_587, %dma_start3A_618] : memref<2x200x128xf32, #tpu.memory_space<hbm>> -> memref<1x1x128xf32, #tpu.memory_space<hbm>>
        %dma_start3A_620 = tpu.memref_squeeze %dma_start3A_619 : memref<1x1x128xf32, #tpu.memory_space<hbm>> -> memref<128xf32, #tpu.memory_space<hbm>>
        %dma_start3A_621 = arith.constant 0 : i32
        %dma_start3A_622 = tpu.memref_slice %arg4[%dma_start3A_617, %select_n3A_587, %dma_start3A_621] : memref<2x200x128xf32, #tpu.memory_space<hbm>> -> memref<1x1x128xf32, #tpu.memory_space<hbm>>
        %dma_start3A_623 = tpu.memref_squeeze %dma_start3A_622 : memref<1x1x128xf32, #tpu.memory_space<hbm>> -> memref<128xf32, #tpu.memory_space<hbm>>
        tpu.enqueue_dma source(%dma_start3A_623 : memref<128xf32, #tpu.memory_space<hbm>>) target(%arg10 : memref<128xf32, #tpu.memory_space<vmem>>) target_semaphore(%arg20 : memref<!tpu.dma_semaphore, #tpu.memory_space<semaphore_mem>>)
      } else {
      }
      %ge3A = arith.constant 2 : i32
      %ge3A_366 = arith.cmpi sge, %mul3A_303, %ge3A : i32
      %convert_element_type3A_367 = arith.extui %ge3A_366 : i1 to i32
      %cond3A_368 = arith.constant 0 : i32
      %cond3A_369 = arith.cmpi ne, %convert_element_type3A_367, %cond3A_368 : i32
      scf.if %cond3A_369 {
        %sub3A_561 = arith.constant 2 : i32
        %sub3A_562 = arith.subi %mul3A_303, %sub3A_561 : i32
        %add3A_563 = arith.addi %mul3A_2, %sub3A_562 : i32
        %jit3A_564 = arith.constant 8 : i32
        %div3A_565 = arith.divsi %add3A_563, %jit3A_564 : i32
        %sign3A_566 = arith.constant 0 : i32
        %sign3A_567 = arith.cmpi sgt, %add3A_563, %sign3A_566 : i32
        %sign3A_568 = arith.extui %sign3A_567 : i1 to i32
        %sign3A_569 = arith.constant 0 : i32
        %sign3A_570 = arith.cmpi slt, %add3A_563, %sign3A_569 : i32
        %sign3A_571 = arith.extui %sign3A_570 : i1 to i32
        %sign3A_572 = arith.subi %sign3A_568, %sign3A_571 : i32
        %sign3A_573 = arith.constant 0 : i32
        %sign3A_574 = arith.cmpi sgt, %jit3A_564, %sign3A_573 : i32
        %sign3A_575 = arith.extui %sign3A_574 : i1 to i32
        %sign3A_576 = arith.constant 0 : i32
        %sign3A_577 = arith.cmpi slt, %jit3A_564, %sign3A_576 : i32
        %sign3A_578 = arith.extui %sign3A_577 : i1 to i32
        %sign3A_579 = arith.subi %sign3A_575, %sign3A_578 : i32
        %ne3A_580 = arith.cmpi ne, %sign3A_572, %sign3A_579 : i32
        %rem3A_581 = arith.remsi %add3A_563, %jit3A_564 : i32
        %ne3A_582 = arith.constant 0 : i32
        %ne3A_583 = arith.cmpi ne, %rem3A_581, %ne3A_582 : i32
        %and3A_584 = arith.andi %ne3A_580, %ne3A_583 : i1
        %sub3A_585 = arith.constant 1 : i32
        %sub3A_586 = arith.subi %div3A_565, %sub3A_585 : i32
        %select_n3A_587 = arith.select %and3A_584, %sub3A_586, %div3A_565 : i32
        %jit3A_588 = arith.constant 8 : i32
        %eq3A_589 = arith.constant 0 : i32
        %eq3A_590 = arith.cmpi eq, %jit3A_588, %eq3A_589 : i32
        %jit3A_591 = arith.constant 1 : i32
        %select_n3A_592 = arith.select %eq3A_590, %jit3A_591, %jit3A_588 : i32
        %rem3A_593 = arith.remsi %add3A_563, %select_n3A_592 : i32
        %ne3A_594 = arith.constant 0 : i32
        %ne3A_595 = arith.cmpi ne, %rem3A_593, %ne3A_594 : i32
        %lt3A_596 = arith.constant 0 : i32
        %lt3A_597 = arith.cmpi slt, %rem3A_593, %lt3A_596 : i32
        %lt3A_598 = arith.constant 0 : i32
        %lt3A_599 = arith.cmpi slt, %select_n3A_592, %lt3A_598 : i32
        %ne3A_600 = arith.xori %lt3A_597, %lt3A_599 : i1
        %and3A_601 = arith.andi %ne3A_600, %ne3A_595 : i1
        %add3A_602 = arith.addi %rem3A_593, %select_n3A_592 : i32
        %select_n3A_603 = arith.select %and3A_601, %add3A_602, %rem3A_593 : i32
        %mul3A_604 = arith.constant 128 : i32
        %mul3A_605 = arith.muli %select_n3A_603, %mul3A_604 : i32
        %dma_wait3A_606 = arith.constant 0 : i32
        %dma_wait3A_607 = arith.constant 0 : i32
        %dma_wait3A_608 = tpu.memref_slice %arg5[%dma_wait3A_606, %mul3A_605, %select_n3A_587, %dma_wait3A_607] : memref<2x1024x200x128xf32, #tpu.memory_space<hbm>> -> memref<1x128x1x128xf32, #tpu.memory_space<hbm>>
        %dma_wait3A_609 = tpu.memref_squeeze %dma_wait3A_608 : memref<1x128x1x128xf32, #tpu.memory_space<hbm>> -> memref<128x128xf32, #tpu.memory_space<hbm>>
        %dma_wait3A_610 = arith.constant 0 : i32
        %dma_wait3A_611 = tpu.memref_slice %arg5[%dma_wait3A_606, %mul3A_605, %select_n3A_587, %dma_wait3A_610] : memref<2x1024x200x128xf32, #tpu.memory_space<hbm>> -> memref<1x128x1x128xf32, #tpu.memory_space<hbm>>
        %dma_wait3A_612 = tpu.memref_squeeze %dma_wait3A_611 : memref<1x128x1x128xf32, #tpu.memory_space<hbm>> -> memref<128x128xf32, #tpu.memory_space<hbm>>
        tpu.wait_dma2 semaphore(%arg22 : memref<!tpu.dma_semaphore, #tpu.memory_space<semaphore_mem>>) src(%arg14 : memref<128x128xf32, #tpu.memory_space<vmem>>) dst(%dma_wait3A_612 : memref<128x128xf32, #tpu.memory_space<hbm>>)
        %dma_wait3A_613 = arith.constant 1 : i32
        %dma_wait3A_614 = arith.constant 0 : i32
        %dma_wait3A_615 = tpu.memref_slice %arg5[%dma_wait3A_613, %mul3A_605, %select_n3A_587, %dma_wait3A_614] : memref<2x1024x200x128xf32, #tpu.memory_space<hbm>> -> memref<1x128x1x128xf32, #tpu.memory_space<hbm>>
        %dma_wait3A_616 = tpu.memref_squeeze %dma_wait3A_615 : memref<1x128x1x128xf32, #tpu.memory_space<hbm>> -> memref<128x128xf32, #tpu.memory_space<hbm>>
        %dma_wait3A_617 = arith.constant 0 : i32
        %dma_wait3A_618 = tpu.memref_slice %arg5[%dma_wait3A_613, %mul3A_605, %select_n3A_587, %dma_wait3A_617] : memref<2x1024x200x128xf32, #tpu.memory_space<hbm>> -> memref<1x128x1x128xf32, #tpu.memory_space<hbm>>
        %dma_wait3A_619 = tpu.memref_squeeze %dma_wait3A_618 : memref<1x128x1x128xf32, #tpu.memory_space<hbm>> -> memref<128x128xf32, #tpu.memory_space<hbm>>
        tpu.wait_dma2 semaphore(%arg22 : memref<!tpu.dma_semaphore, #tpu.memory_space<semaphore_mem>>) src(%arg16 : memref<128x128xf32, #tpu.memory_space<vmem>>) dst(%dma_wait3A_619 : memref<128x128xf32, #tpu.memory_space<hbm>>)
      } else {
      }
      %parallel_loop3A = arith.constant 0 : i32
      %parallel_loop3A_370 = arith.constant 128 : i32
      %parallel_loop3A_371 = arith.constant 1 : i32
      scf.for %parallel_loop3A_561 = %parallel_loop3A to %parallel_loop3A_370 step %parallel_loop3A_371  : i32 {
        %parallel_loop3A_562 = arith.index_cast %parallel_loop3A_561 : i32 to index
        %parallel_loop3A_563 = arith.constant 0 : index
        %parallel_loop3A_564 = tpu.vector_load %arg12[%parallel_loop3A_562, %parallel_loop3A_563] {strides = array<i32>} : memref<128x128xf32, #tpu.memory_space<vmem>>, vector<1x16xf32>,
        %parallel_loop3A_565 = vector.shape_cast %parallel_loop3A_564 : vector<1x16xf32> to vector<16xf32>
        %parallel_loop3A_566 = arith.mulf %parallel_loop3A_565, %get3A_313 : vector<16xf32>
        %parallel_loop3A_567 = arith.index_cast %parallel_loop3A_561 : i32 to index
        %parallel_loop3A_568 = arith.constant 0 : index
        %parallel_loop3A_569 = tpu.vector_load %arg14[%parallel_loop3A_567, %parallel_loop3A_568] {strides = array<i32>} : memref<128x128xf32, #tpu.memory_space<vmem>>, vector<1x16xf32>,
        %parallel_loop3A_570 = vector.shape_cast %parallel_loop3A_569 : vector<1x16xf32> to vector<16xf32>
        %parallel_loop3A_571 = vector.shape_cast %parallel_loop3A_566 : vector<16xf32> to vector<1x16xf32>
        tpu.vector_store %arg14[%parallel_loop3A_567, %parallel_loop3A_568], %parallel_loop3A_571 {strides = array<i32>} : memref<128x128xf32, #tpu.memory_space<vmem>>, vector<1x16xf32>,
        %parallel_loop3A_572 = arith.mulf %parallel_loop3A_565, %get3A_337 : vector<16xf32>
        %parallel_loop3A_573 = arith.index_cast %parallel_loop3A_561 : i32 to index
        %parallel_loop3A_574 = arith.constant 0 : index
        %parallel_loop3A_575 = tpu.vector_load %arg16[%parallel_loop3A_573, %parallel_loop3A_574] {strides = array<i32>} : memref<128x128xf32, #tpu.memory_space<vmem>>, vector<1x16xf32>,
        %parallel_loop3A_576 = vector.shape_cast %parallel_loop3A_575 : vector<1x16xf32> to vector<16xf32>
        %parallel_loop3A_577 = vector.shape_cast %parallel_loop3A_572 : vector<16xf32> to vector<1x16xf32>
        tpu.vector_store %arg16[%parallel_loop3A_573, %parallel_loop3A_574], %parallel_loop3A_577 {strides = array<i32>} : memref<128x128xf32, #tpu.memory_space<vmem>>, vector<1x16xf32>,
        %parallel_loop3A_578 = arith.index_cast %parallel_loop3A_561 : i32 to index
        %parallel_loop3A_579 = arith.constant 16 : index
        %parallel_loop3A_580 = tpu.vector_load %arg12[%parallel_loop3A_578, %parallel_loop3A_579] {strides = array<i32>} : memref<128x128xf32, #tpu.memory_space<vmem>>, vector<1x16xf32>,
        %parallel_loop3A_581 = vector.shape_cast %parallel_loop3A_580 : vector<1x16xf32> to vector<16xf32>
        %parallel_loop3A_582 = arith.mulf %parallel_loop3A_581, %get3A_316 : vector<16xf32>
        %parallel_loop3A_583 = arith.index_cast %parallel_loop3A_561 : i32 to index
        %parallel_loop3A_584 = arith.constant 16 : index
        %parallel_loop3A_585 = tpu.vector_load %arg14[%parallel_loop3A_583, %parallel_loop3A_584] {strides = array<i32>} : memref<128x128xf32, #tpu.memory_space<vmem>>, vector<1x16xf32>,
        %parallel_loop3A_586 = vector.shape_cast %parallel_loop3A_585 : vector<1x16xf32> to vector<16xf32>
        %parallel_loop3A_587 = vector.shape_cast %parallel_loop3A_582 : vector<16xf32> to vector<1x16xf32>
        tpu.vector_store %arg14[%parallel_loop3A_583, %parallel_loop3A_584], %parallel_loop3A_587 {strides = array<i32>} : memref<128x128xf32, #tpu.memory_space<vmem>>, vector<1x16xf32>,
        %parallel_loop3A_588 = arith.mulf %parallel_loop3A_581, %get3A_340 : vector<16xf32>
        %parallel_loop3A_589 = arith.index_cast %parallel_loop3A_561 : i32 to index
        %parallel_loop3A_590 = arith.constant 16 : index
        %parallel_loop3A_591 = tpu.vector_load %arg16[%parallel_loop3A_589, %parallel_loop3A_590] {strides = array<i32>} : memref<128x128xf32, #tpu.memory_space<vmem>>, vector<1x16xf32>,
        %parallel_loop3A_592 = vector.shape_cast %parallel_loop3A_591 : vector<1x16xf32> to vector<16xf32>
        %parallel_loop3A_593 = vector.shape_cast %parallel_loop3A_588 : vector<16xf32> to vector<1x16xf32>
        tpu.vector_store %arg16[%parallel_loop3A_589, %parallel_loop3A_590], %parallel_loop3A_593 {strides = array<i32>} : memref<128x128xf32, #tpu.memory_space<vmem>>, vector<1x16xf32>,
        %parallel_loop3A_594 = arith.index_cast %parallel_loop3A_561 : i32 to index
        %parallel_loop3A_595 = arith.constant 32 : index
        %parallel_loop3A_596 = tpu.vector_load %arg12[%parallel_loop3A_594, %parallel_loop3A_595] {strides = array<i32>} : memref<128x128xf32, #tpu.memory_space<vmem>>, vector<1x16xf32>,
        %parallel_loop3A_597 = vector.shape_cast %parallel_loop3A_596 : vector<1x16xf32> to vector<16xf32>
        %parallel_loop3A_598 = arith.mulf %parallel_loop3A_597, %get3A_319 : vector<16xf32>
        %parallel_loop3A_599 = arith.index_cast %parallel_loop3A_561 : i32 to index
        %parallel_loop3A_600 = arith.constant 32 : index
        %parallel_loop3A_601 = tpu.vector_load %arg14[%parallel_loop3A_599, %parallel_loop3A_600] {strides = array<i32>} : memref<128x128xf32, #tpu.memory_space<vmem>>, vector<1x16xf32>,
        %parallel_loop3A_602 = vector.shape_cast %parallel_loop3A_601 : vector<1x16xf32> to vector<16xf32>
        %parallel_loop3A_603 = vector.shape_cast %parallel_loop3A_598 : vector<16xf32> to vector<1x16xf32>
        tpu.vector_store %arg14[%parallel_loop3A_599, %parallel_loop3A_600], %parallel_loop3A_603 {strides = array<i32>} : memref<128x128xf32, #tpu.memory_space<vmem>>, vector<1x16xf32>,
        %parallel_loop3A_604 = arith.mulf %parallel_loop3A_597, %get3A_343 : vector<16xf32>
        %parallel_loop3A_605 = arith.index_cast %parallel_loop3A_561 : i32 to index
        %parallel_loop3A_606 = arith.constant 32 : index
        %parallel_loop3A_607 = tpu.vector_load %arg16[%parallel_loop3A_605, %parallel_loop3A_606] {strides = array<i32>} : memref<128x128xf32, #tpu.memory_space<vmem>>, vector<1x16xf32>,
        %parallel_loop3A_608 = vector.shape_cast %parallel_loop3A_607 : vector<1x16xf32> to vector<16xf32>
        %parallel_loop3A_609 = vector.shape_cast %parallel_loop3A_604 : vector<16xf32> to vector<1x16xf32>
        tpu.vector_store %arg16[%parallel_loop3A_605, %parallel_loop3A_606], %parallel_loop3A_609 {strides = array<i32>} : memref<128x128xf32, #tpu.memory_space<vmem>>, vector<1x16xf32>,
        %parallel_loop3A_610 = arith.index_cast %parallel_loop3A_561 : i32 to index
        %parallel_loop3A_611 = arith.constant 48 : index
        %parallel_loop3A_612 = tpu.vector_load %arg12[%parallel_loop3A_610, %parallel_loop3A_611] {strides = array<i32>} : memref<128x128xf32, #tpu.memory_space<vmem>>, vector<1x16xf32>,
        %parallel_loop3A_613 = vector.shape_cast %parallel_loop3A_612 : vector<1x16xf32> to vector<16xf32>
        %parallel_loop3A_614 = arith.mulf %parallel_loop3A_613, %get3A_322 : vector<16xf32>
        %parallel_loop3A_615 = arith.index_cast %parallel_loop3A_561 : i32 to index
        %parallel_loop3A_616 = arith.constant 48 : index
        %parallel_loop3A_617 = tpu.vector_load %arg14[%parallel_loop3A_615, %parallel_loop3A_616] {strides = array<i32>} : memref<128x128xf32, #tpu.memory_space<vmem>>, vector<1x16xf32>,
        %parallel_loop3A_618 = vector.shape_cast %parallel_loop3A_617 : vector<1x16xf32> to vector<16xf32>
        %parallel_loop3A_619 = vector.shape_cast %parallel_loop3A_614 : vector<16xf32> to vector<1x16xf32>
        tpu.vector_store %arg14[%parallel_loop3A_615, %parallel_loop3A_616], %parallel_loop3A_619 {strides = array<i32>} : memref<128x128xf32, #tpu.memory_space<vmem>>, vector<1x16xf32>,
        %parallel_loop3A_620 = arith.mulf %parallel_loop3A_613, %get3A_346 : vector<16xf32>
        %parallel_loop3A_621 = arith.index_cast %parallel_loop3A_561 : i32 to index
        %parallel_loop3A_622 = arith.constant 48 : index
        %parallel_loop3A_623 = tpu.vector_load %arg16[%parallel_loop3A_621, %parallel_loop3A_622] {strides = array<i32>} : memref<128x128xf32, #tpu.memory_space<vmem>>, vector<1x16xf32>,
        %parallel_loop3A_624 = vector.shape_cast %parallel_loop3A_623 : vector<1x16xf32> to vector<16xf32>
        %parallel_loop3A_625 = vector.shape_cast %parallel_loop3A_620 : vector<16xf32> to vector<1x16xf32>
        tpu.vector_store %arg16[%parallel_loop3A_621, %parallel_loop3A_622], %parallel_loop3A_625 {strides = array<i32>} : memref<128x128xf32, #tpu.memory_space<vmem>>, vector<1x16xf32>,
        %parallel_loop3A_626 = arith.index_cast %parallel_loop3A_561 : i32 to index
        %parallel_loop3A_627 = arith.constant 64 : index
        %parallel_loop3A_628 = tpu.vector_load %arg12[%parallel_loop3A_626, %parallel_loop3A_627] {strides = array<i32>} : memref<128x128xf32, #tpu.memory_space<vmem>>, vector<1x16xf32>,
        %parallel_loop3A_629 = vector.shape_cast %parallel_loop3A_628 : vector<1x16xf32> to vector<16xf32>
        %parallel_loop3A_630 = arith.mulf %parallel_loop3A_629, %get3A_325 : vector<16xf32>
        %parallel_loop3A_631 = arith.index_cast %parallel_loop3A_561 : i32 to index
        %parallel_loop3A_632 = arith.constant 64 : index
        %parallel_loop3A_633 = tpu.vector_load %arg14[%parallel_loop3A_631, %parallel_loop3A_632] {strides = array<i32>} : memref<128x128xf32, #tpu.memory_space<vmem>>, vector<1x16xf32>,
        %parallel_loop3A_634 = vector.shape_cast %parallel_loop3A_633 : vector<1x16xf32> to vector<16xf32>
        %parallel_loop3A_635 = vector.shape_cast %parallel_loop3A_630 : vector<16xf32> to vector<1x16xf32>
        tpu.vector_store %arg14[%parallel_loop3A_631, %parallel_loop3A_632], %parallel_loop3A_635 {strides = array<i32>} : memref<128x128xf32, #tpu.memory_space<vmem>>, vector<1x16xf32>,
        %parallel_loop3A_636 = arith.mulf %parallel_loop3A_629, %get3A_349 : vector<16xf32>
        %parallel_loop3A_637 = arith.index_cast %parallel_loop3A_561 : i32 to index
        %parallel_loop3A_638 = arith.constant 64 : index
        %parallel_loop3A_639 = tpu.vector_load %arg16[%parallel_loop3A_637, %parallel_loop3A_638] {strides = array<i32>} : memref<128x128xf32, #tpu.memory_space<vmem>>, vector<1x16xf32>,
        %parallel_loop3A_640 = vector.shape_cast %parallel_loop3A_639 : vector<1x16xf32> to vector<16xf32>
        %parallel_loop3A_641 = vector.shape_cast %parallel_loop3A_636 : vector<16xf32> to vector<1x16xf32>
        tpu.vector_store %arg16[%parallel_loop3A_637, %parallel_loop3A_638], %parallel_loop3A_641 {strides = array<i32>} : memref<128x128xf32, #tpu.memory_space<vmem>>, vector<1x16xf32>,
        %parallel_loop3A_642 = arith.index_cast %parallel_loop3A_561 : i32 to index
        %parallel_loop3A_643 = arith.constant 80 : index
        %parallel_loop3A_644 = tpu.vector_load %arg12[%parallel_loop3A_642, %parallel_loop3A_643] {strides = array<i32>} : memref<128x128xf32, #tpu.memory_space<vmem>>, vector<1x16xf32>,
        %parallel_loop3A_645 = vector.shape_cast %parallel_loop3A_644 : vector<1x16xf32> to vector<16xf32>
        %parallel_loop3A_646 = arith.mulf %parallel_loop3A_645, %get3A_328 : vector<16xf32>
        %parallel_loop3A_647 = arith.index_cast %parallel_loop3A_561 : i32 to index
        %parallel_loop3A_648 = arith.constant 80 : index
        %parallel_loop3A_649 = tpu.vector_load %arg14[%parallel_loop3A_647, %parallel_loop3A_648] {strides = array<i32>} : memref<128x128xf32, #tpu.memory_space<vmem>>, vector<1x16xf32>,
        %parallel_loop3A_650 = vector.shape_cast %parallel_loop3A_649 : vector<1x16xf32> to vector<16xf32>
        %parallel_loop3A_651 = vector.shape_cast %parallel_loop3A_646 : vector<16xf32> to vector<1x16xf32>
        tpu.vector_store %arg14[%parallel_loop3A_647, %parallel_loop3A_648], %parallel_loop3A_651 {strides = array<i32>} : memref<128x128xf32, #tpu.memory_space<vmem>>, vector<1x16xf32>,
        %parallel_loop3A_652 = arith.mulf %parallel_loop3A_645, %get3A_352 : vector<16xf32>
        %parallel_loop3A_653 = arith.index_cast %parallel_loop3A_561 : i32 to index
        %parallel_loop3A_654 = arith.constant 80 : index
        %parallel_loop3A_655 = tpu.vector_load %arg16[%parallel_loop3A_653, %parallel_loop3A_654] {strides = array<i32>} : memref<128x128xf32, #tpu.memory_space<vmem>>, vector<1x16xf32>,
        %parallel_loop3A_656 = vector.shape_cast %parallel_loop3A_655 : vector<1x16xf32> to vector<16xf32>
        %parallel_loop3A_657 = vector.shape_cast %parallel_loop3A_652 : vector<16xf32> to vector<1x16xf32>
        tpu.vector_store %arg16[%parallel_loop3A_653, %parallel_loop3A_654], %parallel_loop3A_657 {strides = array<i32>} : memref<128x128xf32, #tpu.memory_space<vmem>>, vector<1x16xf32>,
        %parallel_loop3A_658 = arith.index_cast %parallel_loop3A_561 : i32 to index
        %parallel_loop3A_659 = arith.constant 96 : index
        %parallel_loop3A_660 = tpu.vector_load %arg12[%parallel_loop3A_658, %parallel_loop3A_659] {strides = array<i32>} : memref<128x128xf32, #tpu.memory_space<vmem>>, vector<1x16xf32>,
        %parallel_loop3A_661 = vector.shape_cast %parallel_loop3A_660 : vector<1x16xf32> to vector<16xf32>
        %parallel_loop3A_662 = arith.mulf %parallel_loop3A_661, %get3A_331 : vector<16xf32>
        %parallel_loop3A_663 = arith.index_cast %parallel_loop3A_561 : i32 to index
        %parallel_loop3A_664 = arith.constant 96 : index
        %parallel_loop3A_665 = tpu.vector_load %arg14[%parallel_loop3A_663, %parallel_loop3A_664] {strides = array<i32>} : memref<128x128xf32, #tpu.memory_space<vmem>>, vector<1x16xf32>,
        %parallel_loop3A_666 = vector.shape_cast %parallel_loop3A_665 : vector<1x16xf32> to vector<16xf32>
        %parallel_loop3A_667 = vector.shape_cast %parallel_loop3A_662 : vector<16xf32> to vector<1x16xf32>
        tpu.vector_store %arg14[%parallel_loop3A_663, %parallel_loop3A_664], %parallel_loop3A_667 {strides = array<i32>} : memref<128x128xf32, #tpu.memory_space<vmem>>, vector<1x16xf32>,
        %parallel_loop3A_668 = arith.mulf %parallel_loop3A_661, %get3A_355 : vector<16xf32>
        %parallel_loop3A_669 = arith.index_cast %parallel_loop3A_561 : i32 to index
        %parallel_loop3A_670 = arith.constant 96 : index
        %parallel_loop3A_671 = tpu.vector_load %arg16[%parallel_loop3A_669, %parallel_loop3A_670] {strides = array<i32>} : memref<128x128xf32, #tpu.memory_space<vmem>>, vector<1x16xf32>,
        %parallel_loop3A_672 = vector.shape_cast %parallel_loop3A_671 : vector<1x16xf32> to vector<16xf32>
        %parallel_loop3A_673 = vector.shape_cast %parallel_loop3A_668 : vector<16xf32> to vector<1x16xf32>
        tpu.vector_store %arg16[%parallel_loop3A_669, %parallel_loop3A_670], %parallel_loop3A_673 {strides = array<i32>} : memref<128x128xf32, #tpu.memory_space<vmem>>, vector<1x16xf32>,
        %parallel_loop3A_674 = arith.index_cast %parallel_loop3A_561 : i32 to index
        %parallel_loop3A_675 = arith.constant 112 : index
        %parallel_loop3A_676 = tpu.vector_load %arg12[%parallel_loop3A_674, %parallel_loop3A_675] {strides = array<i32>} : memref<128x128xf32, #tpu.memory_space<vmem>>, vector<1x16xf32>,
        %parallel_loop3A_677 = vector.shape_cast %parallel_loop3A_676 : vector<1x16xf32> to vector<16xf32>
        %parallel_loop3A_678 = arith.mulf %parallel_loop3A_677, %get3A_334 : vector<16xf32>
        %parallel_loop3A_679 = arith.index_cast %parallel_loop3A_561 : i32 to index
        %parallel_loop3A_680 = arith.constant 112 : index
        %parallel_loop3A_681 = tpu.vector_load %arg14[%parallel_loop3A_679, %parallel_loop3A_680] {strides = array<i32>} : memref<128x128xf32, #tpu.memory_space<vmem>>, vector<1x16xf32>,
        %parallel_loop3A_682 = vector.shape_cast %parallel_loop3A_681 : vector<1x16xf32> to vector<16xf32>
        %parallel_loop3A_683 = vector.shape_cast %parallel_loop3A_678 : vector<16xf32> to vector<1x16xf32>
        tpu.vector_store %arg14[%parallel_loop3A_679, %parallel_loop3A_680], %parallel_loop3A_683 {strides = array<i32>} : memref<128x128xf32, #tpu.memory_space<vmem>>, vector<1x16xf32>,
        %parallel_loop3A_684 = arith.mulf %parallel_loop3A_677, %get3A_358 : vector<16xf32>
        %parallel_loop3A_685 = arith.index_cast %parallel_loop3A_561 : i32 to index
        %parallel_loop3A_686 = arith.constant 112 : index
        %parallel_loop3A_687 = tpu.vector_load %arg16[%parallel_loop3A_685, %parallel_loop3A_686] {strides = array<i32>} : memref<128x128xf32, #tpu.memory_space<vmem>>, vector<1x16xf32>,
        %parallel_loop3A_688 = vector.shape_cast %parallel_loop3A_687 : vector<1x16xf32> to vector<16xf32>
        %parallel_loop3A_689 = vector.shape_cast %parallel_loop3A_684 : vector<16xf32> to vector<1x16xf32>
        tpu.vector_store %arg16[%parallel_loop3A_685, %parallel_loop3A_686], %parallel_loop3A_689 {strides = array<i32>} : memref<128x128xf32, #tpu.memory_space<vmem>>, vector<1x16xf32>,
      } {sc.loop_unroll_factor = 4 : i64, sc.parallel_access}
      %add3A_372 = arith.addi %mul3A_2, %mul3A_303 : i32
      %jit3A_373 = arith.constant 8 : i32
      %div3A_374 = arith.divsi %add3A_372, %jit3A_373 : i32
      %sign3A_375 = arith.constant 0 : i32
      %sign3A_376 = arith.cmpi sgt, %add3A_372, %sign3A_375 : i32
      %sign3A_377 = arith.extui %sign3A_376 : i1 to i32
      %sign3A_378 = arith.constant 0 : i32
      %sign3A_379 = arith.cmpi slt, %add3A_372, %sign3A_378 : i32
      %sign3A_380 = arith.extui %sign3A_379 : i1 to i32
      %sign3A_381 = arith.subi %sign3A_377, %sign3A_380 : i32
      %sign3A_382 = arith.constant 0 : i32
      %sign3A_383 = arith.cmpi sgt, %jit3A_373, %sign3A_382 : i32
      %sign3A_384 = arith.extui %sign3A_383 : i1 to i32
      %sign3A_385 = arith.constant 0 : i32
      %sign3A_386 = arith.cmpi slt, %jit3A_373, %sign3A_385 : i32
      %sign3A_387 = arith.extui %sign3A_386 : i1 to i32
      %sign3A_388 = arith.subi %sign3A_384, %sign3A_387 : i32
      %ne3A_389 = arith.cmpi ne, %sign3A_381, %sign3A_388 : i32
      %rem3A_390 = arith.remsi %add3A_372, %jit3A_373 : i32
      %ne3A_391 = arith.constant 0 : i32
      %ne3A_392 = arith.cmpi ne, %rem3A_390, %ne3A_391 : i32
      %and3A_393 = arith.andi %ne3A_389, %ne3A_392 : i1
      %sub3A_394 = arith.constant 1 : i32
      %sub3A_395 = arith.subi %div3A_374, %sub3A_394 : i32
      %select_n3A_396 = arith.select %and3A_393, %sub3A_395, %div3A_374 : i32
      %jit3A_397 = arith.constant 8 : i32
      %eq3A_398 = arith.constant 0 : i32
      %eq3A_399 = arith.cmpi eq, %jit3A_397, %eq3A_398 : i32
      %jit3A_400 = arith.constant 1 : i32
      %select_n3A_401 = arith.select %eq3A_399, %jit3A_400, %jit3A_397 : i32
      %rem3A_402 = arith.remsi %add3A_372, %select_n3A_401 : i32
      %ne3A_403 = arith.constant 0 : i32
      %ne3A_404 = arith.cmpi ne, %rem3A_402, %ne3A_403 : i32
      %lt3A_405 = arith.constant 0 : i32
      %lt3A_406 = arith.cmpi slt, %rem3A_402, %lt3A_405 : i32
      %lt3A_407 = arith.constant 0 : i32
      %lt3A_408 = arith.cmpi slt, %select_n3A_401, %lt3A_407 : i32
      %ne3A_409 = arith.xori %lt3A_406, %lt3A_408 : i1
      %and3A_410 = arith.andi %ne3A_409, %ne3A_404 : i1
      %add3A_411 = arith.addi %rem3A_402, %select_n3A_401 : i32
      %select_n3A_412 = arith.select %and3A_410, %add3A_411, %rem3A_402 : i32
      %mul3A_413 = arith.constant 128 : i32
      %mul3A_414 = arith.muli %select_n3A_412, %mul3A_413 : i32
      %dma_start3A_415 = arith.constant 0 : i32
      %dma_start3A_416 = arith.constant 0 : i32
      %dma_start3A_417 = tpu.memref_slice %arg5[%dma_start3A_415, %mul3A_414, %select_n3A_396, %dma_start3A_416] : memref<2x1024x200x128xf32, #tpu.memory_space<hbm>> -> memref<1x128x1x128xf32, #tpu.memory_space<hbm>>
      %dma_start3A_418 = tpu.memref_squeeze %dma_start3A_417 : memref<1x128x1x128xf32, #tpu.memory_space<hbm>> -> memref<128x128xf32, #tpu.memory_space<hbm>>
      %dma_start3A_419 = arith.constant 0 : i32
      %dma_start3A_420 = tpu.memref_slice %arg5[%dma_start3A_415, %mul3A_414, %select_n3A_396, %dma_start3A_419] : memref<2x1024x200x128xf32, #tpu.memory_space<hbm>> -> memref<1x128x1x128xf32, #tpu.memory_space<hbm>>
      %dma_start3A_421 = tpu.memref_squeeze %dma_start3A_420 : memref<1x128x1x128xf32, #tpu.memory_space<hbm>> -> memref<128x128xf32, #tpu.memory_space<hbm>>
      tpu.enqueue_dma source(%arg14 : memref<128x128xf32, #tpu.memory_space<vmem>>) target(%dma_start3A_421 : memref<128x128xf32, #tpu.memory_space<hbm>>) target_semaphore(%arg22 : memref<!tpu.dma_semaphore, #tpu.memory_space<semaphore_mem>>)
      %dma_start3A_422 = arith.constant 1 : i32
      %dma_start3A_423 = arith.constant 0 : i32
      %dma_start3A_424 = tpu.memref_slice %arg5[%dma_start3A_422, %mul3A_414, %select_n3A_396, %dma_start3A_423] : memref<2x1024x200x128xf32, #tpu.memory_space<hbm>> -> memref<1x128x1x128xf32, #tpu.memory_space<hbm>>
      %dma_start3A_425 = tpu.memref_squeeze %dma_start3A_424 : memref<1x128x1x128xf32, #tpu.memory_space<hbm>> -> memref<128x128xf32, #tpu.memory_space<hbm>>
      %dma_start3A_426 = arith.constant 0 : i32
      %dma_start3A_427 = tpu.memref_slice %arg5[%dma_start3A_422, %mul3A_414, %select_n3A_396, %dma_start3A_426] : memref<2x1024x200x128xf32, #tpu.memory_space<hbm>> -> memref<1x128x1x128xf32, #tpu.memory_space<hbm>>
      %dma_start3A_428 = tpu.memref_squeeze %dma_start3A_427 : memref<1x128x1x128xf32, #tpu.memory_space<hbm>> -> memref<128x128xf32, #tpu.memory_space<hbm>>
      tpu.enqueue_dma source(%arg16 : memref<128x128xf32, #tpu.memory_space<vmem>>) target(%dma_start3A_428 : memref<128x128xf32, #tpu.memory_space<hbm>>) target_semaphore(%arg22 : memref<!tpu.dma_semaphore, #tpu.memory_space<semaphore_mem>>)
      %add3A_429 = arith.constant 1 : i32
      %add3A_430 = arith.addi %mul3A_303, %add3A_429 : i32
      %add3A_431 = arith.constant 1 : i32
      %add3A_432 = arith.addi %add3A_430, %add3A_431 : i32
      %lt3A_433 = arith.constant 50 : i32
      %lt3A_434 = arith.cmpi slt, %add3A_432, %lt3A_433 : i32
      %convert_element_type3A_435 = arith.extui %lt3A_434 : i1 to i32
      %cond3A_436 = arith.constant 0 : i32
      %cond3A_437 = arith.cmpi ne, %convert_element_type3A_435, %cond3A_436 : i32
      scf.if %cond3A_437 {
        %add3A_561 = arith.constant 1 : i32
        %add3A_562 = arith.addi %add3A_430, %add3A_561 : i32
        %add3A_563 = arith.addi %mul3A_2, %add3A_562 : i32
        %jit3A_564 = arith.constant 8 : i32
        %div3A_565 = arith.divsi %add3A_563, %jit3A_564 : i32
        %sign3A_566 = arith.constant 0 : i32
        %sign3A_567 = arith.cmpi sgt, %add3A_563, %sign3A_566 : i32
        %sign3A_568 = arith.extui %sign3A_567 : i1 to i32
        %sign3A_569 = arith.constant 0 : i32
        %sign3A_570 = arith.cmpi slt, %add3A_563, %sign3A_569 : i32
        %sign3A_571 = arith.extui %sign3A_570 : i1 to i32
        %sign3A_572 = arith.subi %sign3A_568, %sign3A_571 : i32
        %sign3A_573 = arith.constant 0 : i32
        %sign3A_574 = arith.cmpi sgt, %jit3A_564, %sign3A_573 : i32
        %sign3A_575 = arith.extui %sign3A_574 : i1 to i32
        %sign3A_576 = arith.constant 0 : i32
        %sign3A_577 = arith.cmpi slt, %jit3A_564, %sign3A_576 : i32
        %sign3A_578 = arith.extui %sign3A_577 : i1 to i32
        %sign3A_579 = arith.subi %sign3A_575, %sign3A_578 : i32
        %ne3A_580 = arith.cmpi ne, %sign3A_572, %sign3A_579 : i32
        %rem3A_581 = arith.remsi %add3A_563, %jit3A_564 : i32
        %ne3A_582 = arith.constant 0 : i32
        %ne3A_583 = arith.cmpi ne, %rem3A_581, %ne3A_582 : i32
        %and3A_584 = arith.andi %ne3A_580, %ne3A_583 : i1
        %sub3A_585 = arith.constant 1 : i32
        %sub3A_586 = arith.subi %div3A_565, %sub3A_585 : i32
        %select_n3A_587 = arith.select %and3A_584, %sub3A_586, %div3A_565 : i32
        %jit3A_588 = arith.constant 8 : i32
        %eq3A_589 = arith.constant 0 : i32
        %eq3A_590 = arith.cmpi eq, %jit3A_588, %eq3A_589 : i32
        %jit3A_591 = arith.constant 1 : i32
        %select_n3A_592 = arith.select %eq3A_590, %jit3A_591, %jit3A_588 : i32
        %rem3A_593 = arith.remsi %add3A_563, %select_n3A_592 : i32
        %ne3A_594 = arith.constant 0 : i32
        %ne3A_595 = arith.cmpi ne, %rem3A_593, %ne3A_594 : i32
        %lt3A_596 = arith.constant 0 : i32
        %lt3A_597 = arith.cmpi slt, %rem3A_593, %lt3A_596 : i32
        %lt3A_598 = arith.constant 0 : i32
        %lt3A_599 = arith.cmpi slt, %select_n3A_592, %lt3A_598 : i32
        %ne3A_600 = arith.xori %lt3A_597, %lt3A_599 : i1
        %and3A_601 = arith.andi %ne3A_600, %ne3A_595 : i1
        %add3A_602 = arith.addi %rem3A_593, %select_n3A_592 : i32
        %select_n3A_603 = arith.select %and3A_601, %add3A_602, %rem3A_593 : i32
        %dma_wait3A_604 = arith.constant 0 : i32
        %dma_wait3A_605 = tpu.memref_slice %arg2[%select_n3A_587, %select_n3A_603, %dma_wait3A_604] : memref<200x8x128xi32, #tpu.memory_space<hbm>> -> memref<1x1x128xi32, #tpu.memory_space<hbm>>
        %dma_wait3A_606 = tpu.memref_squeeze %dma_wait3A_605 : memref<1x1x128xi32, #tpu.memory_space<hbm>> -> memref<128xi32, #tpu.memory_space<hbm>>
        %dma_wait3A_607 = arith.constant 0 : i32
        %dma_wait3A_608 = tpu.memref_slice %arg2[%select_n3A_587, %select_n3A_603, %dma_wait3A_607] : memref<200x8x128xi32, #tpu.memory_space<hbm>> -> memref<1x1x128xi32, #tpu.memory_space<hbm>>
        %dma_wait3A_609 = tpu.memref_squeeze %dma_wait3A_608 : memref<1x1x128xi32, #tpu.memory_space<hbm>> -> memref<128xi32, #tpu.memory_space<hbm>>
        tpu.wait_dma2 semaphore(%arg20 : memref<!tpu.dma_semaphore, #tpu.memory_space<semaphore_mem>>) src(%dma_wait3A_609 : memref<128xi32, #tpu.memory_space<hbm>>) dst(%arg6 : memref<128xi32, #tpu.memory_space<vmem>>)
        %dma_wait3A_610 = arith.constant 0 : i32
        %dma_wait3A_611 = arith.constant 0 : i32
        %dma_wait3A_612 = tpu.memref_slice %arg4[%dma_wait3A_610, %select_n3A_587, %dma_wait3A_611] : memref<2x200x128xf32, #tpu.memory_space<hbm>> -> memref<1x1x128xf32, #tpu.memory_space<hbm>>
        %dma_wait3A_613 = tpu.memref_squeeze %dma_wait3A_612 : memref<1x1x128xf32, #tpu.memory_space<hbm>> -> memref<128xf32, #tpu.memory_space<hbm>>
        %dma_wait3A_614 = arith.constant 0 : i32
        %dma_wait3A_615 = tpu.memref_slice %arg4[%dma_wait3A_610, %select_n3A_587, %dma_wait3A_614] : memref<2x200x128xf32, #tpu.memory_space<hbm>> -> memref<1x1x128xf32, #tpu.memory_space<hbm>>
        %dma_wait3A_616 = tpu.memref_squeeze %dma_wait3A_615 : memref<1x1x128xf32, #tpu.memory_space<hbm>> -> memref<128xf32, #tpu.memory_space<hbm>>
        tpu.wait_dma2 semaphore(%arg20 : memref<!tpu.dma_semaphore, #tpu.memory_space<semaphore_mem>>) src(%dma_wait3A_616 : memref<128xf32, #tpu.memory_space<hbm>>) dst(%arg8 : memref<128xf32, #tpu.memory_space<vmem>>)
        %dma_wait3A_617 = arith.constant 1 : i32
        %dma_wait3A_618 = arith.constant 0 : i32
        %dma_wait3A_619 = tpu.memref_slice %arg4[%dma_wait3A_617, %select_n3A_587, %dma_wait3A_618] : memref<2x200x128xf32, #tpu.memory_space<hbm>> -> memref<1x1x128xf32, #tpu.memory_space<hbm>>
        %dma_wait3A_620 = tpu.memref_squeeze %dma_wait3A_619 : memref<1x1x128xf32, #tpu.memory_space<hbm>> -> memref<128xf32, #tpu.memory_space<hbm>>
        %dma_wait3A_621 = arith.constant 0 : i32
        %dma_wait3A_622 = tpu.memref_slice %arg4[%dma_wait3A_617, %select_n3A_587, %dma_wait3A_621] : memref<2x200x128xf32, #tpu.memory_space<hbm>> -> memref<1x1x128xf32, #tpu.memory_space<hbm>>
        %dma_wait3A_623 = tpu.memref_squeeze %dma_wait3A_622 : memref<1x1x128xf32, #tpu.memory_space<hbm>> -> memref<128xf32, #tpu.memory_space<hbm>>
        tpu.wait_dma2 semaphore(%arg20 : memref<!tpu.dma_semaphore, #tpu.memory_space<semaphore_mem>>) src(%dma_wait3A_623 : memref<128xf32, #tpu.memory_space<hbm>>) dst(%arg10 : memref<128xf32, #tpu.memory_space<vmem>>)
        %dma_start3A_624 = arith.constant 0 : i32
        %dma_start3A_625 = arith.constant 0 : i32
        %dma_start3A_626 = tpu.memref_slice %arg3[%dma_start3A_624, %dma_start3A_625] : memref<100000x128xf32, #tpu.memory_space<hbm>> -> memref<100000x128xf32, #tpu.memory_space<hbm>>
        tpu.enqueue_indirect_dma source(%dma_start3A_626 : memref<100000x128xf32, #tpu.memory_space<hbm>>) target(%arg12 : memref<128x128xf32, #tpu.memory_space<vmem>>) offsets(%arg6 : memref<128xi32, #tpu.memory_space<vmem>>) semaphore(%arg18 : memref<!tpu.dma_semaphore, #tpu.memory_space<semaphore_mem>>)
      } else {
      }
      %dma_wait3A_438 = arith.constant 0 : i32
      %dma_wait3A_439 = arith.constant 0 : i32
      %dma_wait3A_440 = tpu.memref_slice %arg3[%dma_wait3A_438, %dma_wait3A_439] : memref<100000x128xf32, #tpu.memory_space<hbm>> -> memref<100000x128xf32, #tpu.memory_space<hbm>>
      tpu.wait_indirect_dma semaphore(%arg19 : memref<!tpu.dma_semaphore, #tpu.memory_space<semaphore_mem>>) src(%dma_wait3A_440 : memref<100000x128xf32, #tpu.memory_space<hbm>>) dst(%arg13 : memref<128x128xf32, #tpu.memory_space<vmem>>)
      %get3A_441 = arith.constant 0 : index
      %get3A_442 = tpu.vector_load %arg9[%get3A_441] {strides = array<i32>} : memref<128xf32, #tpu.memory_space<vmem>>, vector<16xf32>,
      %get3A_443 = vector.shape_cast %get3A_442 : vector<16xf32> to vector<16xf32>
      %get3A_444 = arith.constant 16 : index
      %get3A_445 = tpu.vector_load %arg9[%get3A_444] {strides = array<i32>} : memref<128xf32, #tpu.memory_space<vmem>>, vector<16xf32>,
      %get3A_446 = vector.shape_cast %get3A_445 : vector<16xf32> to vector<16xf32>
      %get3A_447 = arith.constant 32 : index
      %get3A_448 = tpu.vector_load %arg9[%get3A_447] {strides = array<i32>} : memref<128xf32, #tpu.memory_space<vmem>>, vector<16xf32>,
      %get3A_449 = vector.shape_cast %get3A_448 : vector<16xf32> to vector<16xf32>
      %get3A_450 = arith.constant 48 : index
      %get3A_451 = tpu.vector_load %arg9[%get3A_450] {strides = array<i32>} : memref<128xf32, #tpu.memory_space<vmem>>, vector<16xf32>,
      %get3A_452 = vector.shape_cast %get3A_451 : vector<16xf32> to vector<16xf32>
      %get3A_453 = arith.constant 64 : index
      %get3A_454 = tpu.vector_load %arg9[%get3A_453] {strides = array<i32>} : memref<128xf32, #tpu.memory_space<vmem>>, vector<16xf32>,
      %get3A_455 = vector.shape_cast %get3A_454 : vector<16xf32> to vector<16xf32>
      %get3A_456 = arith.constant 80 : index
      %get3A_457 = tpu.vector_load %arg9[%get3A_456] {strides = array<i32>} : memref<128xf32, #tpu.memory_space<vmem>>, vector<16xf32>,
      %get3A_458 = vector.shape_cast %get3A_457 : vector<16xf32> to vector<16xf32>
      %get3A_459 = arith.constant 96 : index
      %get3A_460 = tpu.vector_load %arg9[%get3A_459] {strides = array<i32>} : memref<128xf32, #tpu.memory_space<vmem>>, vector<16xf32>,
      %get3A_461 = vector.shape_cast %get3A_460 : vector<16xf32> to vector<16xf32>
      %get3A_462 = arith.constant 112 : index
      %get3A_463 = tpu.vector_load %arg9[%get3A_462] {strides = array<i32>} : memref<128xf32, #tpu.memory_space<vmem>>, vector<16xf32>,
      %get3A_464 = vector.shape_cast %get3A_463 : vector<16xf32> to vector<16xf32>
      %get3A_465 = arith.constant 0 : index
      %get3A_466 = tpu.vector_load %arg11[%get3A_465] {strides = array<i32>} : memref<128xf32, #tpu.memory_space<vmem>>, vector<16xf32>,
      %get3A_467 = vector.shape_cast %get3A_466 : vector<16xf32> to vector<16xf32>
      %get3A_468 = arith.constant 16 : index
      %get3A_469 = tpu.vector_load %arg11[%get3A_468] {strides = array<i32>} : memref<128xf32, #tpu.memory_space<vmem>>, vector<16xf32>,
      %get3A_470 = vector.shape_cast %get3A_469 : vector<16xf32> to vector<16xf32>
      %get3A_471 = arith.constant 32 : index
      %get3A_472 = tpu.vector_load %arg11[%get3A_471] {strides = array<i32>} : memref<128xf32, #tpu.memory_space<vmem>>, vector<16xf32>,
      %get3A_473 = vector.shape_cast %get3A_472 : vector<16xf32> to vector<16xf32>
      %get3A_474 = arith.constant 48 : index
      %get3A_475 = tpu.vector_load %arg11[%get3A_474] {strides = array<i32>} : memref<128xf32, #tpu.memory_space<vmem>>, vector<16xf32>,
      %get3A_476 = vector.shape_cast %get3A_475 : vector<16xf32> to vector<16xf32>
      %get3A_477 = arith.constant 64 : index
      %get3A_478 = tpu.vector_load %arg11[%get3A_477] {strides = array<i32>} : memref<128xf32, #tpu.memory_space<vmem>>, vector<16xf32>,
      %get3A_479 = vector.shape_cast %get3A_478 : vector<16xf32> to vector<16xf32>
      %get3A_480 = arith.constant 80 : index
      %get3A_481 = tpu.vector_load %arg11[%get3A_480] {strides = array<i32>} : memref<128xf32, #tpu.memory_space<vmem>>, vector<16xf32>,
      %get3A_482 = vector.shape_cast %get3A_481 : vector<16xf32> to vector<16xf32>
      %get3A_483 = arith.constant 96 : index
      %get3A_484 = tpu.vector_load %arg11[%get3A_483] {strides = array<i32>} : memref<128xf32, #tpu.memory_space<vmem>>, vector<16xf32>,
      %get3A_485 = vector.shape_cast %get3A_484 : vector<16xf32> to vector<16xf32>
      %get3A_486 = arith.constant 112 : index
      %get3A_487 = tpu.vector_load %arg11[%get3A_486] {strides = array<i32>} : memref<128xf32, #tpu.memory_space<vmem>>, vector<16xf32>,
      %get3A_488 = vector.shape_cast %get3A_487 : vector<16xf32> to vector<16xf32>
      %add3A_489 = arith.constant 2 : i32
      %add3A_490 = arith.addi %add3A_430, %add3A_489 : i32
      %lt3A_491 = arith.constant 50 : i32
      %lt3A_492 = arith.cmpi slt, %add3A_490, %lt3A_491 : i32
      %convert_element_type3A_493 = arith.extui %lt3A_492 : i1 to i32
      %cond3A_494 = arith.constant 0 : i32
      %cond3A_495 = arith.cmpi ne, %convert_element_type3A_493, %cond3A_494 : i32
      scf.if %cond3A_495 {
        %add3A_561 = arith.constant 2 : i32
        %add3A_562 = arith.addi %add3A_430, %add3A_561 : i32
        %add3A_563 = arith.addi %mul3A_2, %add3A_562 : i32
        %jit3A_564 = arith.constant 8 : i32
        %div3A_565 = arith.divsi %add3A_563, %jit3A_564 : i32
        %sign3A_566 = arith.constant 0 : i32
        %sign3A_567 = arith.cmpi sgt, %add3A_563, %sign3A_566 : i32
        %sign3A_568 = arith.extui %sign3A_567 : i1 to i32
        %sign3A_569 = arith.constant 0 : i32
        %sign3A_570 = arith.cmpi slt, %add3A_563, %sign3A_569 : i32
        %sign3A_571 = arith.extui %sign3A_570 : i1 to i32
        %sign3A_572 = arith.subi %sign3A_568, %sign3A_571 : i32
        %sign3A_573 = arith.constant 0 : i32
        %sign3A_574 = arith.cmpi sgt, %jit3A_564, %sign3A_573 : i32
        %sign3A_575 = arith.extui %sign3A_574 : i1 to i32
        %sign3A_576 = arith.constant 0 : i32
        %sign3A_577 = arith.cmpi slt, %jit3A_564, %sign3A_576 : i32
        %sign3A_578 = arith.extui %sign3A_577 : i1 to i32
        %sign3A_579 = arith.subi %sign3A_575, %sign3A_578 : i32
        %ne3A_580 = arith.cmpi ne, %sign3A_572, %sign3A_579 : i32
        %rem3A_581 = arith.remsi %add3A_563, %jit3A_564 : i32
        %ne3A_582 = arith.constant 0 : i32
        %ne3A_583 = arith.cmpi ne, %rem3A_581, %ne3A_582 : i32
        %and3A_584 = arith.andi %ne3A_580, %ne3A_583 : i1
        %sub3A_585 = arith.constant 1 : i32
        %sub3A_586 = arith.subi %div3A_565, %sub3A_585 : i32
        %select_n3A_587 = arith.select %and3A_584, %sub3A_586, %div3A_565 : i32
        %jit3A_588 = arith.constant 8 : i32
        %eq3A_589 = arith.constant 0 : i32
        %eq3A_590 = arith.cmpi eq, %jit3A_588, %eq3A_589 : i32
        %jit3A_591 = arith.constant 1 : i32
        %select_n3A_592 = arith.select %eq3A_590, %jit3A_591, %jit3A_588 : i32
        %rem3A_593 = arith.remsi %add3A_563, %select_n3A_592 : i32
        %ne3A_594 = arith.constant 0 : i32
        %ne3A_595 = arith.cmpi ne, %rem3A_593, %ne3A_594 : i32
        %lt3A_596 = arith.constant 0 : i32
        %lt3A_597 = arith.cmpi slt, %rem3A_593, %lt3A_596 : i32
        %lt3A_598 = arith.constant 0 : i32
        %lt3A_599 = arith.cmpi slt, %select_n3A_592, %lt3A_598 : i32
        %ne3A_600 = arith.xori %lt3A_597, %lt3A_599 : i1
        %and3A_601 = arith.andi %ne3A_600, %ne3A_595 : i1
        %add3A_602 = arith.addi %rem3A_593, %select_n3A_592 : i32
        %select_n3A_603 = arith.select %and3A_601, %add3A_602, %rem3A_593 : i32
        %dma_start3A_604 = arith.constant 0 : i32
        %dma_start3A_605 = tpu.memref_slice %arg2[%select_n3A_587, %select_n3A_603, %dma_start3A_604] : memref<200x8x128xi32, #tpu.memory_space<hbm>> -> memref<1x1x128xi32, #tpu.memory_space<hbm>>
        %dma_start3A_606 = tpu.memref_squeeze %dma_start3A_605 : memref<1x1x128xi32, #tpu.memory_space<hbm>> -> memref<128xi32, #tpu.memory_space<hbm>>
        %dma_start3A_607 = arith.constant 0 : i32
        %dma_start3A_608 = tpu.memref_slice %arg2[%select_n3A_587, %select_n3A_603, %dma_start3A_607] : memref<200x8x128xi32, #tpu.memory_space<hbm>> -> memref<1x1x128xi32, #tpu.memory_space<hbm>>
        %dma_start3A_609 = tpu.memref_squeeze %dma_start3A_608 : memref<1x1x128xi32, #tpu.memory_space<hbm>> -> memref<128xi32, #tpu.memory_space<hbm>>
        tpu.enqueue_dma source(%dma_start3A_609 : memref<128xi32, #tpu.memory_space<hbm>>) target(%arg7 : memref<128xi32, #tpu.memory_space<vmem>>) target_semaphore(%arg21 : memref<!tpu.dma_semaphore, #tpu.memory_space<semaphore_mem>>)
        %dma_start3A_610 = arith.constant 0 : i32
        %dma_start3A_611 = arith.constant 0 : i32
        %dma_start3A_612 = tpu.memref_slice %arg4[%dma_start3A_610, %select_n3A_587, %dma_start3A_611] : memref<2x200x128xf32, #tpu.memory_space<hbm>> -> memref<1x1x128xf32, #tpu.memory_space<hbm>>
        %dma_start3A_613 = tpu.memref_squeeze %dma_start3A_612 : memref<1x1x128xf32, #tpu.memory_space<hbm>> -> memref<128xf32, #tpu.memory_space<hbm>>
        %dma_start3A_614 = arith.constant 0 : i32
        %dma_start3A_615 = tpu.memref_slice %arg4[%dma_start3A_610, %select_n3A_587, %dma_start3A_614] : memref<2x200x128xf32, #tpu.memory_space<hbm>> -> memref<1x1x128xf32, #tpu.memory_space<hbm>>
        %dma_start3A_616 = tpu.memref_squeeze %dma_start3A_615 : memref<1x1x128xf32, #tpu.memory_space<hbm>> -> memref<128xf32, #tpu.memory_space<hbm>>
        tpu.enqueue_dma source(%dma_start3A_616 : memref<128xf32, #tpu.memory_space<hbm>>) target(%arg9 : memref<128xf32, #tpu.memory_space<vmem>>) target_semaphore(%arg21 : memref<!tpu.dma_semaphore, #tpu.memory_space<semaphore_mem>>)
        %dma_start3A_617 = arith.constant 1 : i32
        %dma_start3A_618 = arith.constant 0 : i32
        %dma_start3A_619 = tpu.memref_slice %arg4[%dma_start3A_617, %select_n3A_587, %dma_start3A_618] : memref<2x200x128xf32, #tpu.memory_space<hbm>> -> memref<1x1x128xf32, #tpu.memory_space<hbm>>
        %dma_start3A_620 = tpu.memref_squeeze %dma_start3A_619 : memref<1x1x128xf32, #tpu.memory_space<hbm>> -> memref<128xf32, #tpu.memory_space<hbm>>
        %dma_start3A_621 = arith.constant 0 : i32
        %dma_start3A_622 = tpu.memref_slice %arg4[%dma_start3A_617, %select_n3A_587, %dma_start3A_621] : memref<2x200x128xf32, #tpu.memory_space<hbm>> -> memref<1x1x128xf32, #tpu.memory_space<hbm>>
        %dma_start3A_623 = tpu.memref_squeeze %dma_start3A_622 : memref<1x1x128xf32, #tpu.memory_space<hbm>> -> memref<128xf32, #tpu.memory_space<hbm>>
        tpu.enqueue_dma source(%dma_start3A_623 : memref<128xf32, #tpu.memory_space<hbm>>) target(%arg11 : memref<128xf32, #tpu.memory_space<vmem>>) target_semaphore(%arg21 : memref<!tpu.dma_semaphore, #tpu.memory_space<semaphore_mem>>)
      } else {
      }
      %ge3A_496 = arith.constant 2 : i32
      %ge3A_497 = arith.cmpi sge, %add3A_430, %ge3A_496 : i32
      %convert_element_type3A_498 = arith.extui %ge3A_497 : i1 to i32
      %cond3A_499 = arith.constant 0 : i32
      %cond3A_500 = arith.cmpi ne, %convert_element_type3A_498, %cond3A_499 : i32
      scf.if %cond3A_500 {
        %sub3A_561 = arith.constant 2 : i32
        %sub3A_562 = arith.subi %add3A_430, %sub3A_561 : i32
        %add3A_563 = arith.addi %mul3A_2, %sub3A_562 : i32
        %jit3A_564 = arith.constant 8 : i32
        %div3A_565 = arith.divsi %add3A_563, %jit3A_564 : i32
        %sign3A_566 = arith.constant 0 : i32
        %sign3A_567 = arith.cmpi sgt, %add3A_563, %sign3A_566 : i32
        %sign3A_568 = arith.extui %sign3A_567 : i1 to i32
        %sign3A_569 = arith.constant 0 : i32
        %sign3A_570 = arith.cmpi slt, %add3A_563, %sign3A_569 : i32
        %sign3A_571 = arith.extui %sign3A_570 : i1 to i32
        %sign3A_572 = arith.subi %sign3A_568, %sign3A_571 : i32
        %sign3A_573 = arith.constant 0 : i32
        %sign3A_574 = arith.cmpi sgt, %jit3A_564, %sign3A_573 : i32
        %sign3A_575 = arith.extui %sign3A_574 : i1 to i32
        %sign3A_576 = arith.constant 0 : i32
        %sign3A_577 = arith.cmpi slt, %jit3A_564, %sign3A_576 : i32
        %sign3A_578 = arith.extui %sign3A_577 : i1 to i32
        %sign3A_579 = arith.subi %sign3A_575, %sign3A_578 : i32
        %ne3A_580 = arith.cmpi ne, %sign3A_572, %sign3A_579 : i32
        %rem3A_581 = arith.remsi %add3A_563, %jit3A_564 : i32
        %ne3A_582 = arith.constant 0 : i32
        %ne3A_583 = arith.cmpi ne, %rem3A_581, %ne3A_582 : i32
        %and3A_584 = arith.andi %ne3A_580, %ne3A_583 : i1
        %sub3A_585 = arith.constant 1 : i32
        %sub3A_586 = arith.subi %div3A_565, %sub3A_585 : i32
        %select_n3A_587 = arith.select %and3A_584, %sub3A_586, %div3A_565 : i32
        %jit3A_588 = arith.constant 8 : i32
        %eq3A_589 = arith.constant 0 : i32
        %eq3A_590 = arith.cmpi eq, %jit3A_588, %eq3A_589 : i32
        %jit3A_591 = arith.constant 1 : i32
        %select_n3A_592 = arith.select %eq3A_590, %jit3A_591, %jit3A_588 : i32
        %rem3A_593 = arith.remsi %add3A_563, %select_n3A_592 : i32
        %ne3A_594 = arith.constant 0 : i32
        %ne3A_595 = arith.cmpi ne, %rem3A_593, %ne3A_594 : i32
        %lt3A_596 = arith.constant 0 : i32
        %lt3A_597 = arith.cmpi slt, %rem3A_593, %lt3A_596 : i32
        %lt3A_598 = arith.constant 0 : i32
        %lt3A_599 = arith.cmpi slt, %select_n3A_592, %lt3A_598 : i32
        %ne3A_600 = arith.xori %lt3A_597, %lt3A_599 : i1
        %and3A_601 = arith.andi %ne3A_600, %ne3A_595 : i1
        %add3A_602 = arith.addi %rem3A_593, %select_n3A_592 : i32
        %select_n3A_603 = arith.select %and3A_601, %add3A_602, %rem3A_593 : i32
        %mul3A_604 = arith.constant 128 : i32
        %mul3A_605 = arith.muli %select_n3A_603, %mul3A_604 : i32
        %dma_wait3A_606 = arith.constant 0 : i32
        %dma_wait3A_607 = arith.constant 0 : i32
        %dma_wait3A_608 = tpu.memref_slice %arg5[%dma_wait3A_606, %mul3A_605, %select_n3A_587, %dma_wait3A_607] : memref<2x1024x200x128xf32, #tpu.memory_space<hbm>> -> memref<1x128x1x128xf32, #tpu.memory_space<hbm>>
        %dma_wait3A_609 = tpu.memref_squeeze %dma_wait3A_608 : memref<1x128x1x128xf32, #tpu.memory_space<hbm>> -> memref<128x128xf32, #tpu.memory_space<hbm>>
        %dma_wait3A_610 = arith.constant 0 : i32
        %dma_wait3A_611 = tpu.memref_slice %arg5[%dma_wait3A_606, %mul3A_605, %select_n3A_587, %dma_wait3A_610] : memref<2x1024x200x128xf32, #tpu.memory_space<hbm>> -> memref<1x128x1x128xf32, #tpu.memory_space<hbm>>
        %dma_wait3A_612 = tpu.memref_squeeze %dma_wait3A_611 : memref<1x128x1x128xf32, #tpu.memory_space<hbm>> -> memref<128x128xf32, #tpu.memory_space<hbm>>
        tpu.wait_dma2 semaphore(%arg23 : memref<!tpu.dma_semaphore, #tpu.memory_space<semaphore_mem>>) src(%arg15 : memref<128x128xf32, #tpu.memory_space<vmem>>) dst(%dma_wait3A_612 : memref<128x128xf32, #tpu.memory_space<hbm>>)
        %dma_wait3A_613 = arith.constant 1 : i32
        %dma_wait3A_614 = arith.constant 0 : i32
        %dma_wait3A_615 = tpu.memref_slice %arg5[%dma_wait3A_613, %mul3A_605, %select_n3A_587, %dma_wait3A_614] : memref<2x1024x200x128xf32, #tpu.memory_space<hbm>> -> memref<1x128x1x128xf32, #tpu.memory_space<hbm>>
        %dma_wait3A_616 = tpu.memref_squeeze %dma_wait3A_615 : memref<1x128x1x128xf32, #tpu.memory_space<hbm>> -> memref<128x128xf32, #tpu.memory_space<hbm>>
        %dma_wait3A_617 = arith.constant 0 : i32
        %dma_wait3A_618 = tpu.memref_slice %arg5[%dma_wait3A_613, %mul3A_605, %select_n3A_587, %dma_wait3A_617] : memref<2x1024x200x128xf32, #tpu.memory_space<hbm>> -> memref<1x128x1x128xf32, #tpu.memory_space<hbm>>
        %dma_wait3A_619 = tpu.memref_squeeze %dma_wait3A_618 : memref<1x128x1x128xf32, #tpu.memory_space<hbm>> -> memref<128x128xf32, #tpu.memory_space<hbm>>
        tpu.wait_dma2 semaphore(%arg23 : memref<!tpu.dma_semaphore, #tpu.memory_space<semaphore_mem>>) src(%arg17 : memref<128x128xf32, #tpu.memory_space<vmem>>) dst(%dma_wait3A_619 : memref<128x128xf32, #tpu.memory_space<hbm>>)
      } else {
      }
      %parallel_loop3A_501 = arith.constant 0 : i32
      %parallel_loop3A_502 = arith.constant 128 : i32
      %parallel_loop3A_503 = arith.constant 1 : i32
      scf.for %parallel_loop3A_561 = %parallel_loop3A_501 to %parallel_loop3A_502 step %parallel_loop3A_503  : i32 {
        %parallel_loop3A_562 = arith.index_cast %parallel_loop3A_561 : i32 to index
        %parallel_loop3A_563 = arith.constant 0 : index
        %parallel_loop3A_564 = tpu.vector_load %arg13[%parallel_loop3A_562, %parallel_loop3A_563] {strides = array<i32>} : memref<128x128xf32, #tpu.memory_space<vmem>>, vector<1x16xf32>,
        %parallel_loop3A_565 = vector.shape_cast %parallel_loop3A_564 : vector<1x16xf32> to vector<16xf32>
        %parallel_loop3A_566 = arith.mulf %parallel_loop3A_565, %get3A_443 : vector<16xf32>
        %parallel_loop3A_567 = arith.index_cast %parallel_loop3A_561 : i32 to index
        %parallel_loop3A_568 = arith.constant 0 : index
        %parallel_loop3A_569 = tpu.vector_load %arg15[%parallel_loop3A_567, %parallel_loop3A_568] {strides = array<i32>} : memref<128x128xf32, #tpu.memory_space<vmem>>, vector<1x16xf32>,
        %parallel_loop3A_570 = vector.shape_cast %parallel_loop3A_569 : vector<1x16xf32> to vector<16xf32>
        %parallel_loop3A_571 = vector.shape_cast %parallel_loop3A_566 : vector<16xf32> to vector<1x16xf32>
        tpu.vector_store %arg15[%parallel_loop3A_567, %parallel_loop3A_568], %parallel_loop3A_571 {strides = array<i32>} : memref<128x128xf32, #tpu.memory_space<vmem>>, vector<1x16xf32>,
        %parallel_loop3A_572 = arith.mulf %parallel_loop3A_565, %get3A_467 : vector<16xf32>
        %parallel_loop3A_573 = arith.index_cast %parallel_loop3A_561 : i32 to index
        %parallel_loop3A_574 = arith.constant 0 : index
        %parallel_loop3A_575 = tpu.vector_load %arg17[%parallel_loop3A_573, %parallel_loop3A_574] {strides = array<i32>} : memref<128x128xf32, #tpu.memory_space<vmem>>, vector<1x16xf32>,
        %parallel_loop3A_576 = vector.shape_cast %parallel_loop3A_575 : vector<1x16xf32> to vector<16xf32>
        %parallel_loop3A_577 = vector.shape_cast %parallel_loop3A_572 : vector<16xf32> to vector<1x16xf32>
        tpu.vector_store %arg17[%parallel_loop3A_573, %parallel_loop3A_574], %parallel_loop3A_577 {strides = array<i32>} : memref<128x128xf32, #tpu.memory_space<vmem>>, vector<1x16xf32>,
        %parallel_loop3A_578 = arith.index_cast %parallel_loop3A_561 : i32 to index
        %parallel_loop3A_579 = arith.constant 16 : index
        %parallel_loop3A_580 = tpu.vector_load %arg13[%parallel_loop3A_578, %parallel_loop3A_579] {strides = array<i32>} : memref<128x128xf32, #tpu.memory_space<vmem>>, vector<1x16xf32>,
        %parallel_loop3A_581 = vector.shape_cast %parallel_loop3A_580 : vector<1x16xf32> to vector<16xf32>
        %parallel_loop3A_582 = arith.mulf %parallel_loop3A_581, %get3A_446 : vector<16xf32>
        %parallel_loop3A_583 = arith.index_cast %parallel_loop3A_561 : i32 to index
        %parallel_loop3A_584 = arith.constant 16 : index
        %parallel_loop3A_585 = tpu.vector_load %arg15[%parallel_loop3A_583, %parallel_loop3A_584] {strides = array<i32>} : memref<128x128xf32, #tpu.memory_space<vmem>>, vector<1x16xf32>,
        %parallel_loop3A_586 = vector.shape_cast %parallel_loop3A_585 : vector<1x16xf32> to vector<16xf32>
        %parallel_loop3A_587 = vector.shape_cast %parallel_loop3A_582 : vector<16xf32> to vector<1x16xf32>
        tpu.vector_store %arg15[%parallel_loop3A_583, %parallel_loop3A_584], %parallel_loop3A_587 {strides = array<i32>} : memref<128x128xf32, #tpu.memory_space<vmem>>, vector<1x16xf32>,
        %parallel_loop3A_588 = arith.mulf %parallel_loop3A_581, %get3A_470 : vector<16xf32>
        %parallel_loop3A_589 = arith.index_cast %parallel_loop3A_561 : i32 to index
        %parallel_loop3A_590 = arith.constant 16 : index
        %parallel_loop3A_591 = tpu.vector_load %arg17[%parallel_loop3A_589, %parallel_loop3A_590] {strides = array<i32>} : memref<128x128xf32, #tpu.memory_space<vmem>>, vector<1x16xf32>,
        %parallel_loop3A_592 = vector.shape_cast %parallel_loop3A_591 : vector<1x16xf32> to vector<16xf32>
        %parallel_loop3A_593 = vector.shape_cast %parallel_loop3A_588 : vector<16xf32> to vector<1x16xf32>
        tpu.vector_store %arg17[%parallel_loop3A_589, %parallel_loop3A_590], %parallel_loop3A_593 {strides = array<i32>} : memref<128x128xf32, #tpu.memory_space<vmem>>, vector<1x16xf32>,
        %parallel_loop3A_594 = arith.index_cast %parallel_loop3A_561 : i32 to index
        %parallel_loop3A_595 = arith.constant 32 : index
        %parallel_loop3A_596 = tpu.vector_load %arg13[%parallel_loop3A_594, %parallel_loop3A_595] {strides = array<i32>} : memref<128x128xf32, #tpu.memory_space<vmem>>, vector<1x16xf32>,
        %parallel_loop3A_597 = vector.shape_cast %parallel_loop3A_596 : vector<1x16xf32> to vector<16xf32>
        %parallel_loop3A_598 = arith.mulf %parallel_loop3A_597, %get3A_449 : vector<16xf32>
        %parallel_loop3A_599 = arith.index_cast %parallel_loop3A_561 : i32 to index
        %parallel_loop3A_600 = arith.constant 32 : index
        %parallel_loop3A_601 = tpu.vector_load %arg15[%parallel_loop3A_599, %parallel_loop3A_600] {strides = array<i32>} : memref<128x128xf32, #tpu.memory_space<vmem>>, vector<1x16xf32>,
        %parallel_loop3A_602 = vector.shape_cast %parallel_loop3A_601 : vector<1x16xf32> to vector<16xf32>
        %parallel_loop3A_603 = vector.shape_cast %parallel_loop3A_598 : vector<16xf32> to vector<1x16xf32>
        tpu.vector_store %arg15[%parallel_loop3A_599, %parallel_loop3A_600], %parallel_loop3A_603 {strides = array<i32>} : memref<128x128xf32, #tpu.memory_space<vmem>>, vector<1x16xf32>,
        %parallel_loop3A_604 = arith.mulf %parallel_loop3A_597, %get3A_473 : vector<16xf32>
        %parallel_loop3A_605 = arith.index_cast %parallel_loop3A_561 : i32 to index
        %parallel_loop3A_606 = arith.constant 32 : index
        %parallel_loop3A_607 = tpu.vector_load %arg17[%parallel_loop3A_605, %parallel_loop3A_606] {strides = array<i32>} : memref<128x128xf32, #tpu.memory_space<vmem>>, vector<1x16xf32>,
        %parallel_loop3A_608 = vector.shape_cast %parallel_loop3A_607 : vector<1x16xf32> to vector<16xf32>
        %parallel_loop3A_609 = vector.shape_cast %parallel_loop3A_604 : vector<16xf32> to vector<1x16xf32>
        tpu.vector_store %arg17[%parallel_loop3A_605, %parallel_loop3A_606], %parallel_loop3A_609 {strides = array<i32>} : memref<128x128xf32, #tpu.memory_space<vmem>>, vector<1x16xf32>,
        %parallel_loop3A_610 = arith.index_cast %parallel_loop3A_561 : i32 to index
        %parallel_loop3A_611 = arith.constant 48 : index
        %parallel_loop3A_612 = tpu.vector_load %arg13[%parallel_loop3A_610, %parallel_loop3A_611] {strides = array<i32>} : memref<128x128xf32, #tpu.memory_space<vmem>>, vector<1x16xf32>,
        %parallel_loop3A_613 = vector.shape_cast %parallel_loop3A_612 : vector<1x16xf32> to vector<16xf32>
        %parallel_loop3A_614 = arith.mulf %parallel_loop3A_613, %get3A_452 : vector<16xf32>
        %parallel_loop3A_615 = arith.index_cast %parallel_loop3A_561 : i32 to index
        %parallel_loop3A_616 = arith.constant 48 : index
        %parallel_loop3A_617 = tpu.vector_load %arg15[%parallel_loop3A_615, %parallel_loop3A_616] {strides = array<i32>} : memref<128x128xf32, #tpu.memory_space<vmem>>, vector<1x16xf32>,
        %parallel_loop3A_618 = vector.shape_cast %parallel_loop3A_617 : vector<1x16xf32> to vector<16xf32>
        %parallel_loop3A_619 = vector.shape_cast %parallel_loop3A_614 : vector<16xf32> to vector<1x16xf32>
        tpu.vector_store %arg15[%parallel_loop3A_615, %parallel_loop3A_616], %parallel_loop3A_619 {strides = array<i32>} : memref<128x128xf32, #tpu.memory_space<vmem>>, vector<1x16xf32>,
        %parallel_loop3A_620 = arith.mulf %parallel_loop3A_613, %get3A_476 : vector<16xf32>
        %parallel_loop3A_621 = arith.index_cast %parallel_loop3A_561 : i32 to index
        %parallel_loop3A_622 = arith.constant 48 : index
        %parallel_loop3A_623 = tpu.vector_load %arg17[%parallel_loop3A_621, %parallel_loop3A_622] {strides = array<i32>} : memref<128x128xf32, #tpu.memory_space<vmem>>, vector<1x16xf32>,
        %parallel_loop3A_624 = vector.shape_cast %parallel_loop3A_623 : vector<1x16xf32> to vector<16xf32>
        %parallel_loop3A_625 = vector.shape_cast %parallel_loop3A_620 : vector<16xf32> to vector<1x16xf32>
        tpu.vector_store %arg17[%parallel_loop3A_621, %parallel_loop3A_622], %parallel_loop3A_625 {strides = array<i32>} : memref<128x128xf32, #tpu.memory_space<vmem>>, vector<1x16xf32>,
        %parallel_loop3A_626 = arith.index_cast %parallel_loop3A_561 : i32 to index
        %parallel_loop3A_627 = arith.constant 64 : index
        %parallel_loop3A_628 = tpu.vector_load %arg13[%parallel_loop3A_626, %parallel_loop3A_627] {strides = array<i32>} : memref<128x128xf32, #tpu.memory_space<vmem>>, vector<1x16xf32>,
        %parallel_loop3A_629 = vector.shape_cast %parallel_loop3A_628 : vector<1x16xf32> to vector<16xf32>
        %parallel_loop3A_630 = arith.mulf %parallel_loop3A_629, %get3A_455 : vector<16xf32>
        %parallel_loop3A_631 = arith.index_cast %parallel_loop3A_561 : i32 to index
        %parallel_loop3A_632 = arith.constant 64 : index
        %parallel_loop3A_633 = tpu.vector_load %arg15[%parallel_loop3A_631, %parallel_loop3A_632] {strides = array<i32>} : memref<128x128xf32, #tpu.memory_space<vmem>>, vector<1x16xf32>,
        %parallel_loop3A_634 = vector.shape_cast %parallel_loop3A_633 : vector<1x16xf32> to vector<16xf32>
        %parallel_loop3A_635 = vector.shape_cast %parallel_loop3A_630 : vector<16xf32> to vector<1x16xf32>
        tpu.vector_store %arg15[%parallel_loop3A_631, %parallel_loop3A_632], %parallel_loop3A_635 {strides = array<i32>} : memref<128x128xf32, #tpu.memory_space<vmem>>, vector<1x16xf32>,
        %parallel_loop3A_636 = arith.mulf %parallel_loop3A_629, %get3A_479 : vector<16xf32>
        %parallel_loop3A_637 = arith.index_cast %parallel_loop3A_561 : i32 to index
        %parallel_loop3A_638 = arith.constant 64 : index
        %parallel_loop3A_639 = tpu.vector_load %arg17[%parallel_loop3A_637, %parallel_loop3A_638] {strides = array<i32>} : memref<128x128xf32, #tpu.memory_space<vmem>>, vector<1x16xf32>,
        %parallel_loop3A_640 = vector.shape_cast %parallel_loop3A_639 : vector<1x16xf32> to vector<16xf32>
        %parallel_loop3A_641 = vector.shape_cast %parallel_loop3A_636 : vector<16xf32> to vector<1x16xf32>
        tpu.vector_store %arg17[%parallel_loop3A_637, %parallel_loop3A_638], %parallel_loop3A_641 {strides = array<i32>} : memref<128x128xf32, #tpu.memory_space<vmem>>, vector<1x16xf32>,
        %parallel_loop3A_642 = arith.index_cast %parallel_loop3A_561 : i32 to index
        %parallel_loop3A_643 = arith.constant 80 : index
        %parallel_loop3A_644 = tpu.vector_load %arg13[%parallel_loop3A_642, %parallel_loop3A_643] {strides = array<i32>} : memref<128x128xf32, #tpu.memory_space<vmem>>, vector<1x16xf32>,
        %parallel_loop3A_645 = vector.shape_cast %parallel_loop3A_644 : vector<1x16xf32> to vector<16xf32>
        %parallel_loop3A_646 = arith.mulf %parallel_loop3A_645, %get3A_458 : vector<16xf32>
        %parallel_loop3A_647 = arith.index_cast %parallel_loop3A_561 : i32 to index
        %parallel_loop3A_648 = arith.constant 80 : index
        %parallel_loop3A_649 = tpu.vector_load %arg15[%parallel_loop3A_647, %parallel_loop3A_648] {strides = array<i32>} : memref<128x128xf32, #tpu.memory_space<vmem>>, vector<1x16xf32>,
        %parallel_loop3A_650 = vector.shape_cast %parallel_loop3A_649 : vector<1x16xf32> to vector<16xf32>
        %parallel_loop3A_651 = vector.shape_cast %parallel_loop3A_646 : vector<16xf32> to vector<1x16xf32>
        tpu.vector_store %arg15[%parallel_loop3A_647, %parallel_loop3A_648], %parallel_loop3A_651 {strides = array<i32>} : memref<128x128xf32, #tpu.memory_space<vmem>>, vector<1x16xf32>,
        %parallel_loop3A_652 = arith.mulf %parallel_loop3A_645, %get3A_482 : vector<16xf32>
        %parallel_loop3A_653 = arith.index_cast %parallel_loop3A_561 : i32 to index
        %parallel_loop3A_654 = arith.constant 80 : index
        %parallel_loop3A_655 = tpu.vector_load %arg17[%parallel_loop3A_653, %parallel_loop3A_654] {strides = array<i32>} : memref<128x128xf32, #tpu.memory_space<vmem>>, vector<1x16xf32>,
        %parallel_loop3A_656 = vector.shape_cast %parallel_loop3A_655 : vector<1x16xf32> to vector<16xf32>
        %parallel_loop3A_657 = vector.shape_cast %parallel_loop3A_652 : vector<16xf32> to vector<1x16xf32>
        tpu.vector_store %arg17[%parallel_loop3A_653, %parallel_loop3A_654], %parallel_loop3A_657 {strides = array<i32>} : memref<128x128xf32, #tpu.memory_space<vmem>>, vector<1x16xf32>,
        %parallel_loop3A_658 = arith.index_cast %parallel_loop3A_561 : i32 to index
        %parallel_loop3A_659 = arith.constant 96 : index
        %parallel_loop3A_660 = tpu.vector_load %arg13[%parallel_loop3A_658, %parallel_loop3A_659] {strides = array<i32>} : memref<128x128xf32, #tpu.memory_space<vmem>>, vector<1x16xf32>,
        %parallel_loop3A_661 = vector.shape_cast %parallel_loop3A_660 : vector<1x16xf32> to vector<16xf32>
        %parallel_loop3A_662 = arith.mulf %parallel_loop3A_661, %get3A_461 : vector<16xf32>
        %parallel_loop3A_663 = arith.index_cast %parallel_loop3A_561 : i32 to index
        %parallel_loop3A_664 = arith.constant 96 : index
        %parallel_loop3A_665 = tpu.vector_load %arg15[%parallel_loop3A_663, %parallel_loop3A_664] {strides = array<i32>} : memref<128x128xf32, #tpu.memory_space<vmem>>, vector<1x16xf32>,
        %parallel_loop3A_666 = vector.shape_cast %parallel_loop3A_665 : vector<1x16xf32> to vector<16xf32>
        %parallel_loop3A_667 = vector.shape_cast %parallel_loop3A_662 : vector<16xf32> to vector<1x16xf32>
        tpu.vector_store %arg15[%parallel_loop3A_663, %parallel_loop3A_664], %parallel_loop3A_667 {strides = array<i32>} : memref<128x128xf32, #tpu.memory_space<vmem>>, vector<1x16xf32>,
        %parallel_loop3A_668 = arith.mulf %parallel_loop3A_661, %get3A_485 : vector<16xf32>
        %parallel_loop3A_669 = arith.index_cast %parallel_loop3A_561 : i32 to index
        %parallel_loop3A_670 = arith.constant 96 : index
        %parallel_loop3A_671 = tpu.vector_load %arg17[%parallel_loop3A_669, %parallel_loop3A_670] {strides = array<i32>} : memref<128x128xf32, #tpu.memory_space<vmem>>, vector<1x16xf32>,
        %parallel_loop3A_672 = vector.shape_cast %parallel_loop3A_671 : vector<1x16xf32> to vector<16xf32>
        %parallel_loop3A_673 = vector.shape_cast %parallel_loop3A_668 : vector<16xf32> to vector<1x16xf32>
        tpu.vector_store %arg17[%parallel_loop3A_669, %parallel_loop3A_670], %parallel_loop3A_673 {strides = array<i32>} : memref<128x128xf32, #tpu.memory_space<vmem>>, vector<1x16xf32>,
        %parallel_loop3A_674 = arith.index_cast %parallel_loop3A_561 : i32 to index
        %parallel_loop3A_675 = arith.constant 112 : index
        %parallel_loop3A_676 = tpu.vector_load %arg13[%parallel_loop3A_674, %parallel_loop3A_675] {strides = array<i32>} : memref<128x128xf32, #tpu.memory_space<vmem>>, vector<1x16xf32>,
        %parallel_loop3A_677 = vector.shape_cast %parallel_loop3A_676 : vector<1x16xf32> to vector<16xf32>
        %parallel_loop3A_678 = arith.mulf %parallel_loop3A_677, %get3A_464 : vector<16xf32>
        %parallel_loop3A_679 = arith.index_cast %parallel_loop3A_561 : i32 to index
        %parallel_loop3A_680 = arith.constant 112 : index
        %parallel_loop3A_681 = tpu.vector_load %arg15[%parallel_loop3A_679, %parallel_loop3A_680] {strides = array<i32>} : memref<128x128xf32, #tpu.memory_space<vmem>>, vector<1x16xf32>,
        %parallel_loop3A_682 = vector.shape_cast %parallel_loop3A_681 : vector<1x16xf32> to vector<16xf32>
        %parallel_loop3A_683 = vector.shape_cast %parallel_loop3A_678 : vector<16xf32> to vector<1x16xf32>
        tpu.vector_store %arg15[%parallel_loop3A_679, %parallel_loop3A_680], %parallel_loop3A_683 {strides = array<i32>} : memref<128x128xf32, #tpu.memory_space<vmem>>, vector<1x16xf32>,
        %parallel_loop3A_684 = arith.mulf %parallel_loop3A_677, %get3A_488 : vector<16xf32>
        %parallel_loop3A_685 = arith.index_cast %parallel_loop3A_561 : i32 to index
        %parallel_loop3A_686 = arith.constant 112 : index
        %parallel_loop3A_687 = tpu.vector_load %arg17[%parallel_loop3A_685, %parallel_loop3A_686] {strides = array<i32>} : memref<128x128xf32, #tpu.memory_space<vmem>>, vector<1x16xf32>,
        %parallel_loop3A_688 = vector.shape_cast %parallel_loop3A_687 : vector<1x16xf32> to vector<16xf32>
        %parallel_loop3A_689 = vector.shape_cast %parallel_loop3A_684 : vector<16xf32> to vector<1x16xf32>
        tpu.vector_store %arg17[%parallel_loop3A_685, %parallel_loop3A_686], %parallel_loop3A_689 {strides = array<i32>} : memref<128x128xf32, #tpu.memory_space<vmem>>, vector<1x16xf32>,
      } {sc.loop_unroll_factor = 4 : i64, sc.parallel_access}
      %add3A_504 = arith.addi %mul3A_2, %add3A_430 : i32
      %jit3A_505 = arith.constant 8 : i32
      %div3A_506 = arith.divsi %add3A_504, %jit3A_505 : i32
      %sign3A_507 = arith.constant 0 : i32
      %sign3A_508 = arith.cmpi sgt, %add3A_504, %sign3A_507 : i32
      %sign3A_509 = arith.extui %sign3A_508 : i1 to i32
      %sign3A_510 = arith.constant 0 : i32
      %sign3A_511 = arith.cmpi slt, %add3A_504, %sign3A_510 : i32
      %sign3A_512 = arith.extui %sign3A_511 : i1 to i32
      %sign3A_513 = arith.subi %sign3A_509, %sign3A_512 : i32
      %sign3A_514 = arith.constant 0 : i32
      %sign3A_515 = arith.cmpi sgt, %jit3A_505, %sign3A_514 : i32
      %sign3A_516 = arith.extui %sign3A_515 : i1 to i32
      %sign3A_517 = arith.constant 0 : i32
      %sign3A_518 = arith.cmpi slt, %jit3A_505, %sign3A_517 : i32
      %sign3A_519 = arith.extui %sign3A_518 : i1 to i32
      %sign3A_520 = arith.subi %sign3A_516, %sign3A_519 : i32
      %ne3A_521 = arith.cmpi ne, %sign3A_513, %sign3A_520 : i32
      %rem3A_522 = arith.remsi %add3A_504, %jit3A_505 : i32
      %ne3A_523 = arith.constant 0 : i32
      %ne3A_524 = arith.cmpi ne, %rem3A_522, %ne3A_523 : i32
      %and3A_525 = arith.andi %ne3A_521, %ne3A_524 : i1
      %sub3A_526 = arith.constant 1 : i32
      %sub3A_527 = arith.subi %div3A_506, %sub3A_526 : i32
      %select_n3A_528 = arith.select %and3A_525, %sub3A_527, %div3A_506 : i32
      %jit3A_529 = arith.constant 8 : i32
      %eq3A_530 = arith.constant 0 : i32
      %eq3A_531 = arith.cmpi eq, %jit3A_529, %eq3A_530 : i32
      %jit3A_532 = arith.constant 1 : i32
      %select_n3A_533 = arith.select %eq3A_531, %jit3A_532, %jit3A_529 : i32
      %rem3A_534 = arith.remsi %add3A_504, %select_n3A_533 : i32
      %ne3A_535 = arith.constant 0 : i32
      %ne3A_536 = arith.cmpi ne, %rem3A_534, %ne3A_535 : i32
      %lt3A_537 = arith.constant 0 : i32
      %lt3A_538 = arith.cmpi slt, %rem3A_534, %lt3A_537 : i32
      %lt3A_539 = arith.constant 0 : i32
      %lt3A_540 = arith.cmpi slt, %select_n3A_533, %lt3A_539 : i32
      %ne3A_541 = arith.xori %lt3A_538, %lt3A_540 : i1
      %and3A_542 = arith.andi %ne3A_541, %ne3A_536 : i1
      %add3A_543 = arith.addi %rem3A_534, %select_n3A_533 : i32
      %select_n3A_544 = arith.select %and3A_542, %add3A_543, %rem3A_534 : i32
      %mul3A_545 = arith.constant 128 : i32
      %mul3A_546 = arith.muli %select_n3A_544, %mul3A_545 : i32
      %dma_start3A_547 = arith.constant 0 : i32
      %dma_start3A_548 = arith.constant 0 : i32
      %dma_start3A_549 = tpu.memref_slice %arg5[%dma_start3A_547, %mul3A_546, %select_n3A_528, %dma_start3A_548] : memref<2x1024x200x128xf32, #tpu.memory_space<hbm>> -> memref<1x128x1x128xf32, #tpu.memory_space<hbm>>
      %dma_start3A_550 = tpu.memref_squeeze %dma_start3A_549 : memref<1x128x1x128xf32, #tpu.memory_space<hbm>> -> memref<128x128xf32, #tpu.memory_space<hbm>>
      %dma_start3A_551 = arith.constant 0 : i32
      %dma_start3A_552 = tpu.memref_slice %arg5[%dma_start3A_547, %mul3A_546, %select_n3A_528, %dma_start3A_551] : memref<2x1024x200x128xf32, #tpu.memory_space<hbm>> -> memref<1x128x1x128xf32, #tpu.memory_space<hbm>>
      %dma_start3A_553 = tpu.memref_squeeze %dma_start3A_552 : memref<1x128x1x128xf32, #tpu.memory_space<hbm>> -> memref<128x128xf32, #tpu.memory_space<hbm>>
      tpu.enqueue_dma source(%arg15 : memref<128x128xf32, #tpu.memory_space<vmem>>) target(%dma_start3A_553 : memref<128x128xf32, #tpu.memory_space<hbm>>) target_semaphore(%arg23 : memref<!tpu.dma_semaphore, #tpu.memory_space<semaphore_mem>>)
      %dma_start3A_554 = arith.constant 1 : i32
      %dma_start3A_555 = arith.constant 0 : i32
      %dma_start3A_556 = tpu.memref_slice %arg5[%dma_start3A_554, %mul3A_546, %select_n3A_528, %dma_start3A_555] : memref<2x1024x200x128xf32, #tpu.memory_space<hbm>> -> memref<1x128x1x128xf32, #tpu.memory_space<hbm>>
      %dma_start3A_557 = tpu.memref_squeeze %dma_start3A_556 : memref<1x128x1x128xf32, #tpu.memory_space<hbm>> -> memref<128x128xf32, #tpu.memory_space<hbm>>
      %dma_start3A_558 = arith.constant 0 : i32
      %dma_start3A_559 = tpu.memref_slice %arg5[%dma_start3A_554, %mul3A_546, %select_n3A_528, %dma_start3A_558] : memref<2x1024x200x128xf32, #tpu.memory_space<hbm>> -> memref<1x128x1x128xf32, #tpu.memory_space<hbm>>
      %dma_start3A_560 = tpu.memref_squeeze %dma_start3A_559 : memref<1x128x1x128xf32, #tpu.memory_space<hbm>> -> memref<128x128xf32, #tpu.memory_space<hbm>>
      tpu.enqueue_dma source(%arg17 : memref<128x128xf32, #tpu.memory_space<vmem>>) target(%dma_start3A_560 : memref<128x128xf32, #tpu.memory_space<hbm>>) target_semaphore(%arg23 : memref<!tpu.dma_semaphore, #tpu.memory_space<semaphore_mem>>)
    }
    %scan3A_184 = arith.constant 25 : i32
    %add3A_185 = arith.constant 48 : i32
    %add3A_186 = arith.addi %mul3A_2, %add3A_185 : i32
    %jit3A_187 = arith.constant 8 : i32
    %div3A_188 = arith.divsi %add3A_186, %jit3A_187 : i32
    %sign3A_189 = arith.constant 0 : i32
    %sign3A_190 = arith.cmpi sgt, %add3A_186, %sign3A_189 : i32
    %sign3A_191 = arith.extui %sign3A_190 : i1 to i32
    %sign3A_192 = arith.constant 0 : i32
    %sign3A_193 = arith.cmpi slt, %add3A_186, %sign3A_192 : i32
    %sign3A_194 = arith.extui %sign3A_193 : i1 to i32
    %sign3A_195 = arith.subi %sign3A_191, %sign3A_194 : i32
    %sign3A_196 = arith.constant 0 : i32
    %sign3A_197 = arith.cmpi sgt, %jit3A_187, %sign3A_196 : i32
    %sign3A_198 = arith.extui %sign3A_197 : i1 to i32
    %sign3A_199 = arith.constant 0 : i32
    %sign3A_200 = arith.cmpi slt, %jit3A_187, %sign3A_199 : i32
    %sign3A_201 = arith.extui %sign3A_200 : i1 to i32
    %sign3A_202 = arith.subi %sign3A_198, %sign3A_201 : i32
    %ne3A_203 = arith.cmpi ne, %sign3A_195, %sign3A_202 : i32
    %rem3A_204 = arith.remsi %add3A_186, %jit3A_187 : i32
    %ne3A_205 = arith.constant 0 : i32
    %ne3A_206 = arith.cmpi ne, %rem3A_204, %ne3A_205 : i32
    %and3A_207 = arith.andi %ne3A_203, %ne3A_206 : i1
    %sub3A_208 = arith.constant 1 : i32
    %sub3A_209 = arith.subi %div3A_188, %sub3A_208 : i32
    %select_n3A_210 = arith.select %and3A_207, %sub3A_209, %div3A_188 : i32
    %jit3A_211 = arith.constant 8 : i32
    %eq3A_212 = arith.constant 0 : i32
    %eq3A_213 = arith.cmpi eq, %jit3A_211, %eq3A_212 : i32
    %jit3A_214 = arith.constant 1 : i32
    %select_n3A_215 = arith.select %eq3A_213, %jit3A_214, %jit3A_211 : i32
    %rem3A_216 = arith.remsi %add3A_186, %select_n3A_215 : i32
    %ne3A_217 = arith.constant 0 : i32
    %ne3A_218 = arith.cmpi ne, %rem3A_216, %ne3A_217 : i32
    %lt3A_219 = arith.constant 0 : i32
    %lt3A_220 = arith.cmpi slt, %rem3A_216, %lt3A_219 : i32
    %lt3A_221 = arith.constant 0 : i32
    %lt3A_222 = arith.cmpi slt, %select_n3A_215, %lt3A_221 : i32
    %ne3A_223 = arith.xori %lt3A_220, %lt3A_222 : i1
    %and3A_224 = arith.andi %ne3A_223, %ne3A_218 : i1
    %add3A_225 = arith.addi %rem3A_216, %select_n3A_215 : i32
    %select_n3A_226 = arith.select %and3A_224, %add3A_225, %rem3A_216 : i32
    %mul3A_227 = arith.constant 128 : i32
    %mul3A_228 = arith.muli %select_n3A_226, %mul3A_227 : i32
    %dma_wait3A_229 = arith.constant 0 : i32
    %dma_wait3A_230 = arith.constant 0 : i32
    %dma_wait3A_231 = tpu.memref_slice %arg5[%dma_wait3A_229, %mul3A_228, %select_n3A_210, %dma_wait3A_230] : memref<2x1024x200x128xf32, #tpu.memory_space<hbm>> -> memref<1x128x1x128xf32, #tpu.memory_space<hbm>>
    %dma_wait3A_232 = tpu.memref_squeeze %dma_wait3A_231 : memref<1x128x1x128xf32, #tpu.memory_space<hbm>> -> memref<128x128xf32, #tpu.memory_space<hbm>>
    %dma_wait3A_233 = arith.constant 0 : i32
    %dma_wait3A_234 = tpu.memref_slice %arg5[%dma_wait3A_229, %mul3A_228, %select_n3A_210, %dma_wait3A_233] : memref<2x1024x200x128xf32, #tpu.memory_space<hbm>> -> memref<1x128x1x128xf32, #tpu.memory_space<hbm>>
    %dma_wait3A_235 = tpu.memref_squeeze %dma_wait3A_234 : memref<1x128x1x128xf32, #tpu.memory_space<hbm>> -> memref<128x128xf32, #tpu.memory_space<hbm>>
    tpu.wait_dma2 semaphore(%arg22 : memref<!tpu.dma_semaphore, #tpu.memory_space<semaphore_mem>>) src(%arg14 : memref<128x128xf32, #tpu.memory_space<vmem>>) dst(%dma_wait3A_235 : memref<128x128xf32, #tpu.memory_space<hbm>>)
    %dma_wait3A_236 = arith.constant 1 : i32
    %dma_wait3A_237 = arith.constant 0 : i32
    %dma_wait3A_238 = tpu.memref_slice %arg5[%dma_wait3A_236, %mul3A_228, %select_n3A_210, %dma_wait3A_237] : memref<2x1024x200x128xf32, #tpu.memory_space<hbm>> -> memref<1x128x1x128xf32, #tpu.memory_space<hbm>>
    %dma_wait3A_239 = tpu.memref_squeeze %dma_wait3A_238 : memref<1x128x1x128xf32, #tpu.memory_space<hbm>> -> memref<128x128xf32, #tpu.memory_space<hbm>>
    %dma_wait3A_240 = arith.constant 0 : i32
    %dma_wait3A_241 = tpu.memref_slice %arg5[%dma_wait3A_236, %mul3A_228, %select_n3A_210, %dma_wait3A_240] : memref<2x1024x200x128xf32, #tpu.memory_space<hbm>> -> memref<1x128x1x128xf32, #tpu.memory_space<hbm>>
    %dma_wait3A_242 = tpu.memref_squeeze %dma_wait3A_241 : memref<1x128x1x128xf32, #tpu.memory_space<hbm>> -> memref<128x128xf32, #tpu.memory_space<hbm>>
    tpu.wait_dma2 semaphore(%arg22 : memref<!tpu.dma_semaphore, #tpu.memory_space<semaphore_mem>>) src(%arg16 : memref<128x128xf32, #tpu.memory_space<vmem>>) dst(%dma_wait3A_242 : memref<128x128xf32, #tpu.memory_space<hbm>>)
    %add3A_243 = arith.constant 49 : i32
    %add3A_244 = arith.addi %mul3A_2, %add3A_243 : i32
    %jit3A_245 = arith.constant 8 : i32
    %div3A_246 = arith.divsi %add3A_244, %jit3A_245 : i32
    %sign3A_247 = arith.constant 0 : i32
    %sign3A_248 = arith.cmpi sgt, %add3A_244, %sign3A_247 : i32
    %sign3A_249 = arith.extui %sign3A_248 : i1 to i32
    %sign3A_250 = arith.constant 0 : i32
    %sign3A_251 = arith.cmpi slt, %add3A_244, %sign3A_250 : i32
    %sign3A_252 = arith.extui %sign3A_251 : i1 to i32
    %sign3A_253 = arith.subi %sign3A_249, %sign3A_252 : i32
    %sign3A_254 = arith.constant 0 : i32
    %sign3A_255 = arith.cmpi sgt, %jit3A_245, %sign3A_254 : i32
    %sign3A_256 = arith.extui %sign3A_255 : i1 to i32
    %sign3A_257 = arith.constant 0 : i32
    %sign3A_258 = arith.cmpi slt, %jit3A_245, %sign3A_257 : i32
    %sign3A_259 = arith.extui %sign3A_258 : i1 to i32
    %sign3A_260 = arith.subi %sign3A_256, %sign3A_259 : i32
    %ne3A_261 = arith.cmpi ne, %sign3A_253, %sign3A_260 : i32
    %rem3A_262 = arith.remsi %add3A_244, %jit3A_245 : i32
    %ne3A_263 = arith.constant 0 : i32
    %ne3A_264 = arith.cmpi ne, %rem3A_262, %ne3A_263 : i32
    %and3A_265 = arith.andi %ne3A_261, %ne3A_264 : i1
    %sub3A_266 = arith.constant 1 : i32
    %sub3A_267 = arith.subi %div3A_246, %sub3A_266 : i32
    %select_n3A_268 = arith.select %and3A_265, %sub3A_267, %div3A_246 : i32
    %jit3A_269 = arith.constant 8 : i32
    %eq3A_270 = arith.constant 0 : i32
    %eq3A_271 = arith.cmpi eq, %jit3A_269, %eq3A_270 : i32
    %jit3A_272 = arith.constant 1 : i32
    %select_n3A_273 = arith.select %eq3A_271, %jit3A_272, %jit3A_269 : i32
    %rem3A_274 = arith.remsi %add3A_244, %select_n3A_273 : i32
    %ne3A_275 = arith.constant 0 : i32
    %ne3A_276 = arith.cmpi ne, %rem3A_274, %ne3A_275 : i32
    %lt3A_277 = arith.constant 0 : i32
    %lt3A_278 = arith.cmpi slt, %rem3A_274, %lt3A_277 : i32
    %lt3A_279 = arith.constant 0 : i32
    %lt3A_280 = arith.cmpi slt, %select_n3A_273, %lt3A_279 : i32
    %ne3A_281 = arith.xori %lt3A_278, %lt3A_280 : i1
    %and3A_282 = arith.andi %ne3A_281, %ne3A_276 : i1
    %add3A_283 = arith.addi %rem3A_274, %select_n3A_273 : i32
    %select_n3A_284 = arith.select %and3A_282, %add3A_283, %rem3A_274 : i32
    %mul3A_285 = arith.constant 128 : i32
    %mul3A_286 = arith.muli %select_n3A_284, %mul3A_285 : i32
    %dma_wait3A_287 = arith.constant 0 : i32
    %dma_wait3A_288 = arith.constant 0 : i32
    %dma_wait3A_289 = tpu.memref_slice %arg5[%dma_wait3A_287, %mul3A_286, %select_n3A_268, %dma_wait3A_288] : memref<2x1024x200x128xf32, #tpu.memory_space<hbm>> -> memref<1x128x1x128xf32, #tpu.memory_space<hbm>>
    %dma_wait3A_290 = tpu.memref_squeeze %dma_wait3A_289 : memref<1x128x1x128xf32, #tpu.memory_space<hbm>> -> memref<128x128xf32, #tpu.memory_space<hbm>>
    %dma_wait3A_291 = arith.constant 0 : i32
    %dma_wait3A_292 = tpu.memref_slice %arg5[%dma_wait3A_287, %mul3A_286, %select_n3A_268, %dma_wait3A_291] : memref<2x1024x200x128xf32, #tpu.memory_space<hbm>> -> memref<1x128x1x128xf32, #tpu.memory_space<hbm>>
    %dma_wait3A_293 = tpu.memref_squeeze %dma_wait3A_292 : memref<1x128x1x128xf32, #tpu.memory_space<hbm>> -> memref<128x128xf32, #tpu.memory_space<hbm>>
    tpu.wait_dma2 semaphore(%arg23 : memref<!tpu.dma_semaphore, #tpu.memory_space<semaphore_mem>>) src(%arg15 : memref<128x128xf32, #tpu.memory_space<vmem>>) dst(%dma_wait3A_293 : memref<128x128xf32, #tpu.memory_space<hbm>>)
    %dma_wait3A_294 = arith.constant 1 : i32
    %dma_wait3A_295 = arith.constant 0 : i32
    %dma_wait3A_296 = tpu.memref_slice %arg5[%dma_wait3A_294, %mul3A_286, %select_n3A_268, %dma_wait3A_295] : memref<2x1024x200x128xf32, #tpu.memory_space<hbm>> -> memref<1x128x1x128xf32, #tpu.memory_space<hbm>>
    %dma_wait3A_297 = tpu.memref_squeeze %dma_wait3A_296 : memref<1x128x1x128xf32, #tpu.memory_space<hbm>> -> memref<128x128xf32, #tpu.memory_space<hbm>>
    %dma_wait3A_298 = arith.constant 0 : i32
    %dma_wait3A_299 = tpu.memref_slice %arg5[%dma_wait3A_294, %mul3A_286, %select_n3A_268, %dma_wait3A_298] : memref<2x1024x200x128xf32, #tpu.memory_space<hbm>> -> memref<1x128x1x128xf32, #tpu.memory_space<hbm>>
    %dma_wait3A_300 = tpu.memref_squeeze %dma_wait3A_299 : memref<1x128x1x128xf32, #tpu.memory_space<hbm>> -> memref<128x128xf32, #tpu.memory_space<hbm>>
    tpu.wait_dma2 semaphore(%arg23 : memref<!tpu.dma_semaphore, #tpu.memory_space<semaphore_mem>>) src(%arg17 : memref<128x128xf32, #tpu.memory_space<vmem>>) dst(%dma_wait3A_300 : memref<128x128xf32, #tpu.memory_space<hbm>>)
    return
  }
}

</mosaic_0001>

<sc_bundles>
// kernel: kernel.3.cloned.1.call-start
scs
__scs_entry_jumppad:
0x0: {  	(pc) =	sbr.rel $0x88, $3  }
0x1: {  	(tag) =	ssettag $0x0;
	lr =	simm.s32 $0x1  }
0x2: {  	[smem:$0x3F9F] =	sst lr;
	_ =	strace $0xD0000000  }
0x3: {  	_ = 	snop  }
0x4: {  	_ = 	snop  }
0x5: {  	_ = 	snop  }
0x6: {  	_ = 	snop  }
0x7: {  	_ = 	snop  }
__scs_overlays_trampoline_lowered:
0x8: {  	[smem:$0x3FAE] =	sst s0  }
0x9: {  	[smem:$0x3FAF] =	sst s1  }
0xa: {  	[smem:$0x3FB0] =	sst s2  }
0xb: {  	[smem:$0x3FB1] =	sst s3  }
0xc: {  	[smem:$0x3FB2] =	sst s4  }
0xd: {  	[smem:$0x3FB3] =	sst s5  }
0xe: {  	[smem:$0x3FB4] =	sst s6  }
0xf: {  	[smem:$0x3FB5] =	sst s7  }
0x10: {  	[smem:$0x3FB6] =	sst s8  }
0x11: {  	[smem:$0x3FB7] =	sst s9;
	s0 =	simm.s32 @!p0 $0x0  }
0x12: {  	s1 =	sld [smem:$0x3F9D];
	s0 =	simm.s32 @p0 $0x1  }
0x13: {  	[smem:$0x3FB8] =	sst s0;
	s0 =	simm.s32 @!p1 $0x0  }
0x14: {  	s2 =	sld [smem:$0x3F9C];
	s0 =	simm.s32 @p1 $0x1  }
0x15: {  	[smem:$0x3FB9] =	sst s0;
	s0 =	simm.s32 @!p2 $0x0  }
0x16: {  	s3 =	sld [smem:$0x3FDB];
	s0 =	simm.s32 @p2 $0x1  }
0x17: {  	s4 =	simm.s32 $0x1BF5;
	[smem:$0x3FBB] =	sst s0  }
0x18: {  	s0 =	sld [smem:$0x3F9E];
	_ =	swait.ge [sflag:s4], $0x0  }
0x19: {  	s7 =	sld [smem:$0x3F9F]  }
0x1a: {  	s8 =	sadd.s32 $0xFFFFE003, lr  }
0x1b: {  	s9 =	sadd.s32 $0xFFFFFEF7, lr;
	s5 =	simm.s32 $0xFFFFFFFF;
	p2 =	slt.u32 s8, $0xFFFFF086  }
0x1c: {  	p1 =	slt.u32 s9, $0xF7A;
	s5 =	simm.s32 @!p2 $0x0  }
0x1d: {  	s5 =	simm.s32 @p1 $0x1;
	p0 =	seq.s32 s7, s2  }
0x1e: {  	s7 =	smul.u32 @!p0 $0xF7A, s2;
	p2 =	seq.s32 @!p0 s5, $0x0  }
0x1f: {  	s9 =	smul.u32 $0xF7A, s1;
	s8 =	simm.s32 @!p0 $0x1BF5;
	p2 =	por !p2, p0  }
0x20: {  	[sflag:s8] =	ssyncset.s32 @!p0 $0xFFFFF086;
	s6 =	sadd.s32 @!p0 s3, s7;
	s7 =	simm.s32 @!p0 $0x108  }
0x21: {  	s3 =	sadd.s32 s3, s9;
	s6 =	sadd.s32 @!p0 $0x88, s6;
	s7 =	simm.s32 @p2 $0x1082  }
0x22: {  	[simem:s7], [sflag:s8] =	dma.local @!p0 [hbm:s6], $0xF7A  }
0x23: {  	s9 =	sor.u32 $0xD0000000, s2;
	s6 =	simm.s32 $0x108;
	_ =	swait.ge @!p0 [sflag:s8], $0x0  }
0x24: {  	s3 =	sadd.s32 $0x88, s3;
	s6 =	simm.s32 @!p1 $0x1082;
	[sflag:s4] =	ssyncset.s32 $0xFFFFF086  }
0x25: {  	[simem:s6], [sflag:s4] =	dma.local [hbm:s3], $0xF7A  }
0x26: {  	[smem:$0x3F9F] =	sst s1;
	(tag) =	ssettag s2;
	_ =	strace s9  }
0x27: {  	s1 =	sld [smem:$0x3FAF]  }
0x28: {  	s2 =	sld [smem:$0x3FB0]  }
0x29: {  	s4 =	sld [smem:$0x3FB2]  }
0x2a: {  	p0 =	seq.s32 s5, $0x0;
	s5 =	sld [smem:$0x3FB3]  }
0x2b: {  	s6 =	sld [smem:$0x3FB4]  }
0x2c: {  	s7 =	sld [smem:$0x3FB5]  }
0x2d: {  	s3 =	simm.s32 $0x108;
	s8 =	sld [smem:$0x3FB6]  }
0x2e: {  	s3 =	simm.s32 @!p0 $0x1082;
	s9 =	sld [smem:$0x3FB7]  }
0x2f: {  	lr =	sadd.s32 s0, s3;
	s0 =	sld [smem:$0x3FAE]  }
0x30: {  	s3 =	sld [smem:$0x3FB1]  }
0x31: {  	[smem:$0x3FBA] =	sst s10  }
0x32: {  	s10 =	sld [smem:$0x3FB8];
	_ =	sdelay $0x3  }
0x33: {  	p0 =	seq.s32 s10, $0x1;
	s10 =	sld [smem:$0x3FBA];
	_ =	sdelay $0x3  }
0x34: {  	[smem:$0x3FBA] =	sst s10  }
0x35: {  	s10 =	sld [smem:$0x3FB9];
	_ =	sdelay $0x3  }
0x36: {  	p1 =	seq.s32 s10, $0x1;
	s10 =	sld [smem:$0x3FBA];
	_ =	sdelay $0x3  }
0x37: {  	[smem:$0x3FBA] =	sst s10  }
0x38: {  	s10 =	sld [smem:$0x3FBB]  }
0x39: {  	_ = 	snop;
	(pc) =	sbr.ind lr, $3  }
0x3a: {  	_ = 	snop  }
0x3b: {  	_ = 	snop  }
0x3c: {  	p2 =	seq.s32 s10, $0x1;
	s10 =	sld [smem:$0x3FBA]  }
0x3d: {  	_ =	shalt  }
0x3e: {  	_ =	shalt  }
0x3f: {  	_ =	shalt  }
0x40: {  	_ =	shalt  }
0x41: {  	_ =	shalt  }
0x42: {  	_ =	shalt  }
0x43: {  	_ =	shalt  }
0x44: {  	_ =	shalt  }
0x45: {  	_ =	shalt  }
0x46: {  	_ =	shalt  }
0x47: {  	_ =	shalt  }
0x48: {  	_ =	shalt  }
0x49: {  	_ =	shalt  }
0x4a: {  	_ =	shalt  }
0x4b: {  	_ =	shalt  }
0x4c: {  	_ =	shalt  }
0x4d: {  	_ =	shalt  }
0x4e: {  	_ =	shalt  }
0x4f: {  	_ =	shalt  }
0x50: {  	_ =	shalt  }
0x51: {  	_ =	shalt  }
0x52: {  	_ =	shalt  }
0x53: {  	_ =	shalt  }
0x54: {  	_ =	shalt  }
0x55: {  	_ =	shalt  }
0x56: {  	_ =	shalt  }
0x57: {  	_ =	shalt  }
0x58: {  	_ =	shalt  }
0x59: {  	_ =	shalt  }
0x5a: {  	_ =	shalt  }
0x5b: {  	_ =	shalt  }
0x5c: {  	_ =	shalt  }
0x5d: {  	_ =	shalt  }
0x5e: {  	_ =	shalt  }
0x5f: {  	_ =	shalt  }
0x60: {  	_ =	shalt  }
0x61: {  	_ =	shalt  }
0x62: {  	_ =	shalt  }
0x63: {  	_ =	shalt  }
0x64: {  	_ =	shalt  }
0x65: {  	_ =	shalt  }
0x66: {  	_ =	shalt  }
0x67: {  	_ =	shalt  }
0x68: {  	_ =	shalt  }
0x69: {  	_ =	shalt  }
0x6a: {  	_ =	shalt  }
0x6b: {  	_ =	shalt  }
0x6c: {  	_ =	shalt  }
0x6d: {  	_ =	shalt  }
0x6e: {  	_ =	shalt  }
0x6f: {  	_ =	shalt  }
0x70: {  	_ =	shalt  }
0x71: {  	_ =	shalt  }
0x72: {  	_ =	shalt  }
0x73: {  	_ =	shalt  }
0x74: {  	_ =	shalt  }
0x75: {  	_ =	shalt  }
0x76: {  	_ =	shalt  }
0x77: {  	_ =	shalt  }
0x78: {  	_ =	shalt  }
0x79: {  	_ =	shalt  }
0x7a: {  	_ =	shalt  }
0x7b: {  	_ =	shalt  }
0x7c: {  	_ =	shalt  }
0x7d: {  	_ =	shalt  }
0x7e: {  	_ =	shalt  }
0x7f: {  	_ =	shalt  }
0x80: {  	_ =	shalt  }
0x81: {  	_ =	shalt  }
0x82: {  	_ =	shalt  }
0x83: {  	_ =	shalt  }
0x84: {  	_ =	shalt  }
0x85: {  	_ =	shalt  }
0x86: {  	_ =	shalt  }
0x87: {  	_ =	shalt  }
.Lfunc_end0:
.L_simem_size_0:
called_computation_lowered:
.L_overlay_start_0:
0x88: {  	s2 =	sld [smem:$0x3FD9]  }
0x89: {  	s3 =	sld [smem:$0x3FFE];
	_ =	sdelay $0x1  }
0x8a: {  	s1 =	srdreg.scid  }
0x8b: {  	s0 =	sand.u32 $0x1, s1  }
0x8c: {  	s17 =	sshll.u32 s0, $0xA;
	s2 =	sadd.s32 s3, s2  }
0x8d: {  	s2 =	sadd.s32 s2, s17  }
0x8e: {  	[smem:$0x3FC6] =	sst s2  }
0x8f: {  	_ = 	snop  }
0x90: {  	s2 =	sld [smem:$0x3FC8]  }
0x91: {  	s18 =	sld [smem:$0x3FD0];
	(tm) =	ssettm $0x1  }
0x92: {  	s4 =	sld [smem:$0x3FFB];
	_ =	sdelay $0x3  }
0x93: {  	_ =	strace s4  }
0x94: {  	s4 =	sld [smem:$0x3FFC];
	_ =	sdelay $0x3  }
0x95: {  	_ =	strace s4  }
0x96: {  	s4 =	sld [smem:$0x3FFD];
	_ =	sdelay $0x3  }
0x97: {  	_ =	strace s4  }
0x98: {  	_ =	strace $0x8FFFFFFF  }
0x99: {  	s19 =	sld [smem:$0x3FDB];
	_ =	sdelay $0x1  }
0x9a: {  	s5 =	simm.s32 $_scs_section_size  }
0x9b: {  	s6 =	simm.s32 $_size__tile_overlayer_lowered;
	s7 =	simm.s32 $_tile_overlayer_lowered  }
0x9c: {  	s22 =	simm.s32 $0x1BFF;
	s21 =	sshll.u32 s7, $0x1;
	s4 =	sadd.s32 s5, s19  }
0x9d: {  	s8 =	simm.s32 $0x0;
	s20 =	sshll.u32 s6, $0x1;
	s6 =	sadd.s32 s21, s4  }
0x9e: {  	[timem:s8], [sflag:s22] =	dma.local [hbm:s6], s20  }
0x9f: {  	_ =	swait.ge [sflag:s22], s20  }
0xa0: {  	s5 =	ssub.s32 $0x0, s20;
	[sflag:s22] =	ssyncset.done $0x0  }
0xa1: {  	[sflag:s22] =	ssyncadd.s32 s5;
	_ =	sdelay $0x1  }
0xa2: {  	s23 =	simm.s32 $0x1B8B  }
0xa3: {  	_ =	swait.ge [sflag:s23], $0x1  }
0xa4: {  	[sflag:s23] =	ssyncset.done $0x0  }
0xa5: {  	s25 =	simm.s32 $0x1B8E;
	s24 =	sld [smem:$0x3FFE];
	[sflag:s23] =	ssyncadd.s32 $0xFFFFFFFF  }
0xa6: {  	s26 =	simm.s32 $execute0_lowered;
	[smem:$0x3FD2] =	sst s25  }
0xa7: {  	s6 =	sshll.u32 s26, $0x1;
	_ =	strace $0x80000046;
	[dreg:$0x1] =	wrdreg $0xFFFFFFFF  }
0xa8: {  	s28 =	simm.s32 $_size_execute0_lowered;
	s4 =	sadd.s32 s4, s6;
	[dreg:$0x0] =	wrdreg $0x0  }
0xa9: {  	s6 =	sshll.u32 s28, $0x1;
	[dreg:$0x2] =	wrdreg s4  }
0xaa: {  	[dreg:$0x3] =	wrdreg s6  }
0xab: {  	[dreg:$0x4] =	wrdreg $0xC0  }
0xac: {  	_ =	task [dreg:s8], $0x5FFFF  }
0xad: {  	[dreg:$0x1] =	wrdreg $0xFFFFFFFF  }
0xae: {  	[dreg:$0x0] =	wrdreg $0x60  }
0xaf: {  	[dreg:$0x2] =	wrdreg s24  }
0xb0: {  	[dreg:$0x3] =	wrdreg s2  }
0xb1: {  	[dreg:$0x4] =	wrdreg s18  }
0xb2: {  	[dreg:$0x5] =	wrdreg $0x9  }
0xb3: {  	_ =	task.clear_ibuf [dreg:s8], $0x6FFFF;
	_ =	strace $0x90000046  }
0xb4: {  	s29 =	simm.s32 $0x9;
	_ =	strace $0x80000048  }
0xb5: {  	_ =	swait.ge [sflag:s29], $0x1  }
0xb6: {  	[sflag:s29] =	ssyncadd.s32 $0xFFFFFFFF  }
0xb7: {  	_ =	strace $0x90000048  }
0xb8: {  	_ =	sfence  }
0xb9: {  	s30 =	sld [smem:$0x0];
	_ =	sdelay $0x2  }
0xba: {  	s31 =	sshll.u32 s1, $0xD;
	s1 =	sshrl.u32 s1, $0x2  }
0xbb: {  	s3 =	sand.u32 $0x4000, s31;
	s1 =	sadd.s32 s1, s30  }
0xbc: {  	s0 =	sor.u32 s3, s0;
	s1 =	sshll.u32 s1, $0x11  }
0xbd: {  	s0 =	sor.u32 s1, s0  }
0xbe: {  	s0 =	sadd.s32 $0x8F2B, s0  }
0xbf: {  	[sflag:s0] =	ssyncadd.remote.s32 $0x1  }
0xc0: {  	_ =	sfence.sel $0xFFFF  }
0xc1: {  	[dreg:$0x0] =	wrdreg $0xFFFFFFFF;
	(pc) =	sbr.abs _section_cstart, $3  }
0xc2: {  	[dreg:$0x1] =	wrdreg $0xFFFFFFFF  }
0xc3: {  	_ =	task.clear_ibuf [dreg:s8], $0x2FFFF;
	_ =	strace $0x9FFFFFFF  }
0xc4: {  	(tm) =	ssettm $0x7FFFFFFF  }
0xc5: {  	_ =	shalt  }
tec
execute0_lowered:
.L_overlay_start_1:
0x0: {  	(tag) =	ssettag $0x1  }
0x1: {  	s0 =	rddreg [dreg:$0x0]  }
0x2: {  	s2 =	rddreg [dreg:$0x1]  }
0x3: {  	s3 =	rddreg [dreg:$0x2]  }
0x4: {  	s1 =	srdreg.scid;
	s4 =	stileid.u32;
	s5 =	simm.s32 $0x0  }
0x5: {  	s17 =	simm.s32 $0x80;
	s20 =	simm.s32 $0x3;
	s22 =	simm.s32 $0x4  }
0x6: {  	s23 =	simm.s32 $0x4300;
	s28 =	simm.s32 $0x10300;
	s29 =	simm.s32 $0x2  }
0x7: {  	s30 =	simm.s32 $0xC300;
	s31 =	simm.s32 $0x14300;
	s15 =	simm.s32 $0x0  }
0x8: {  	s1 =	sand.u32 $0x1, s1;
	s4 =	sshll.u32 s4, $0x1;
	[smem:$0x7FF] =	sst s5  }
0x9: {  	s6 =	sadd.s32 $0x400, s0;
	s4 =	sor.u32 s1, s4;
	s24 =	ssub.s32 $0x2, s1  }
0xa: {  	s7 =	sadd.s32 $0x6800, s0;
	s5 =	smul.u32 $0x32, s4;
	s1 =	sshrl.u32 s24, $0x1  }
0xb: {  	_ =	strace $0x80000047;
	s4 =	sshll.u32 s4, $0x5;
	s0 =	ssub.s32 s24, s1  }
0xc: {  	s4 =	sand.u32 $0x60, s4;
	s24 =	simm.s32 $0x1;
	s8 =	sshrl.u32 s5, $0x3  }
0xd: {  	s12 =	sadd.s32 $0x2, s5;
	s13 =	sadd.s32 $0x3, s5;
	s0 =	smax.u32 s0, $0x1  }
0xe: {  	s25 =	sshll.u32 s8, $0x7;
	s8 =	sshll.u32 s8, $0x4;
	[dreg:$0x8] =	wrdreg s0  }
0xf: {  	s4 =	sor.u32 s4, s25;
	s1 =	sadd.s32 $0x6400, s25;
	s8 =	sadd.s32 s7, s8  }
0x10: {  	s4 =	sadd.s32 s6, s4;
	[dreg:$0x5] =	wrdreg s8;
	s1 =	sshrl.u32 s1, $0x3  }
0x11: {  	s0 =	simm.s32 $0x5;
	s1 =	sadd.s32 s7, s1;
	[dreg:$0x4] =	wrdreg s4  }
0x12: {  	s25 =	simm.s32 $0x6400;
	s26 =	sadd.s32 $0x10, s4;
	[dreg:$0x6] =	wrdreg s1  }
0x13: {  	[dreg:$0x7] =	wrdreg s26;
	s26 =	simm.s32 $0x8300;
	s1 =	simm.s32 $0x6  }
.LBB2_1:
0x14: {  	s4 =	simm.s32 $0x0;
	s8 =	rddreg [dreg:$0x4]  }
0x15: {  	[tilespmem:s4], [sflag:$0x3] =	stream.linear.gather [hbm4b:s8+s4], $0x80, $0x38;
	[tilespmem:$0x18300] =	vst v63  }
0x16: {  	s11 =	rddreg [dreg:$0x5];
	s9 =	simm.s32 $0x100  }
0x17: {  	[tilespmem:s9], [sflag:$0x3] =	stream.linear.gather [hbm4b:s11+s4], $0x80, $0x38;
	[tilespmem:$0x18300] =	vst v63  }
0x18: {  	s14 =	rddreg [dreg:$0x6];
	s10 =	simm.s32 $0x200  }
0x19: {  	[tilespmem:s10], [sflag:$0x3] =	stream.linear.gather [hbm4b:s14+s4], $0x80, $0x38;
	[tilespmem:$0x18300] =	vst v63  }
0x1a: {  	s16 =	rddreg [dreg:$0x7]  }
0x1b: {  	[tilespmem:s17], [sflag:$0x4] =	stream.linear.gather [hbm4b:s16+s4], $0x80, $0x38;
	[tilespmem:$0x18300] =	vst v63  }
0x1c: {  	s18 =	simm.s32 $0x180  }
0x1d: {  	[tilespmem:s18], [sflag:$0x4] =	stream.linear.gather [hbm4b:s11+s4], $0x80, $0x38;
	[tilespmem:$0x18300] =	vst v63  }
0x1e: {  	s19 =	simm.s32 $0x280  }
0x1f: {  	[tilespmem:s19], [sflag:$0x4] =	stream.linear.gather [hbm4b:s14+s4], $0x80, $0x38;
	[tilespmem:$0x18300] =	vst v63  }
0x20: {  	_ =	swait.ge [sflag:s20], $0x80  }
0x21: {  	[sflag:s20] =	ssyncset.done $0x0  }
0x22: {  	[sflag:s20] =	ssyncadd.s32 $0xFFFFFF80  }
0x23: {  	_ =	swait.ge [sflag:s20], $0x80  }
0x24: {  	[sflag:s20] =	ssyncset.done $0x0  }
0x25: {  	[sflag:s20] =	ssyncadd.s32 $0xFFFFFF80  }
0x26: {  	_ =	swait.ge [sflag:s20], $0x80  }
0x27: {  	[sflag:s20] =	ssyncset.done $0x0  }
0x28: {  	s21 =	simm.s32 $0x300;
	s16 =	simm.s32 $0x0;
	[sflag:s20] =	ssyncadd.s32 $0xFFFFFF80  }
0x29: {  	[tilespmem:s21], [sflag:$0x1] =	stream.indirect.gather [hbm4b:s2+s17], $0x80, s4, s17, $0xb8;
	[tilespmem:$0x18300] =	vst v63  }
.LBB2_2:
0x2a: {  	_ =	swait.ge [sflag:s22], $0x80  }
0x2b: {  	[sflag:s22] =	ssyncset.done $0x0  }
0x2c: {  	[sflag:s22] =	ssyncadd.s32 $0xFFFFFF80  }
0x2d: {  	_ =	swait.ge [sflag:s22], $0x80  }
0x2e: {  	[sflag:s22] =	ssyncset.done $0x0  }
0x2f: {  	[sflag:s22] =	ssyncadd.s32 $0xFFFFFF80  }
0x30: {  	_ =	swait.ge [sflag:s22], $0x80  }
0x31: {  	[sflag:s22] =	ssyncset.done $0x0  }
0x32: {  	[sflag:s22] =	ssyncadd.s32 $0xFFFFFF80  }
0x33: {  	[tilespmem:s23], [sflag:$0x2] =	stream.indirect.gather [hbm4b:s2+s17], $0x80, s17, s17, $0xb8;
	[tilespmem:$0x18300] =	vst v63  }
0x34: {  	_ =	swait.ge [sflag:s24], $0x4000  }
0x35: {  	[sflag:s24] =	ssyncset.done $0x0  }
0x36: {  	[sflag:s24] =	ssyncadd.s32 $0xFFFFC000  }
0x37: {  	v3 =	vld [tilespmem:$0x100]  }
0x38: {  	v4 =	vld [tilespmem:$0x110]  }
0x39: {  	v5 =	vld [tilespmem:$0x120]  }
0x3a: {  	v6 =	vld [tilespmem:$0x130]  }
0x3b: {  	v7 =	vld [tilespmem:$0x140]  }
0x3c: {  	v8 =	vld [tilespmem:$0x150]  }
0x3d: {  	v2 =	vld [tilespmem:$0x160]  }
0x3e: {  	v0 =	vld [tilespmem:$0x170]  }
0x3f: {  	v9 =	vld [tilespmem:$0x200]  }
0x40: {  	s19 =	sshll.u32 s16, $0x1;
	p0 =	seq.s32 s16, $0x18;
	v11 =	vld [tilespmem:$0x210]  }
0x41: {  	s4 =	sadd.s32 @!p0 s19, s12;
	v12 =	vld [tilespmem:$0x220]  }
0x42: {  	s8 =	sshll.u32 @!p0 s4, $0x4;
	v13 =	vld [tilespmem:$0x230]  }
0x43: {  	s10 =	simm.s32 @!p0 $0x0;
	s9 =	sand.u32 @!p0 $0x60, s8;
	v14 =	vld [tilespmem:$0x240]  }
0x44: {  	s4 =	sshll.u32 @!p0 s4, $0x1;
	s8 =	sand.u32 @!p0 $0x7FFFFF80, s8;
	s9 =	sadd.s32 @!p0 s6, s9;
	v15 =	vld [tilespmem:$0x250]  }
0x45: {  	p1 =	seq.s32 @!p0 s16, $0x0;
	s4 =	sand.u32 @!p0 $0xFFFFFF0, s4;
	s9 =	sadd.s32 @!p0 s8, s9;
	v10 =	vld [tilespmem:$0x260]  }
0x46: {  	v1 =	vld [tilespmem:$0x270];
	[tilespmem:s10], [sflag:$0x3] =	stream.linear.gather @!p0 [hbm4b:s9+s10], $0x80, $0x38  }
0x47: {  	p1 =	por p0, !p1;
	s4 =	sadd.s32 @!p0 s7, s4;
	s9 =	simm.s32 @!p0 $0x100  }
0x48: {  	[tilespmem:s9], [sflag:$0x3] =	stream.linear.gather @!p0 [hbm4b:s4+s10], $0x80, $0x38;
	[tilespmem:$0x18300] =	vst v63  }
.Ltmp0:
0x49: {  	_ = 	snop;
	(pc) =	sbr.rel @!p1 .LBB2_3-.Ltmp0, $4  }
0x4a: {  	s4 =	sadd.s32 @!p0 $0x6400, s8  }
0x4b: {  	s4 =	sshrl.u32 @!p0 s4, $0x3  }
0x4c: {  	s8 =	simm.s32 @!p0 $0x200;
	s4 =	sadd.s32 @!p0 s7, s4  }
0x4d: {  	[tilespmem:s8], [sflag:$0x3] =	stream.linear.gather @!p0 [hbm4b:s4+s10], $0x80, $0x38;
	[tilespmem:$0x18300] =	vst v63  }
0x4e: {  	_ =	swait.ge [sflag:s0], $0x4000  }
.Ltmp1:
0x4f: {  	[sflag:s0] =	ssyncset.done $0x0;
	(pc) =	sbr.rel .LBB2_5-.Ltmp1, $4  }
0x50: {  	[sflag:s0] =	ssyncadd.s32 $0xFFFFC000  }
0x51: {  	_ =	swait.ge [sflag:s0], $0x4000  }
0x52: {  	[sflag:s0] =	ssyncset.done $0x0  }
0x53: {  	p1 =	por $0x0, $0x0;
	[sflag:s0] =	ssyncadd.s32 $0xFFFFC000  }
.LBB2_3:
0x54: {  	p1 =	por @!p0 $0x1, $0x1  }
.LBB2_5:
0x55: {  	s21 =	simm.s32 $0x400  }
0x56: {  	v16 =	vld [tilespmem:s21+$0x80];
	_ =	sdelay $0x1  }
0x57: {  	v17 =	vld [tilespmem:s21+$0xFFFFFF00];
	_ =	sdelay $0x1  }
0x58: {  	v18 =	vld [tilespmem:s21+$0xFFFFFF80]  }
0x59: {  	v19 =	vmul.f32 v16, v3  }
0x5a: {  	s14 =	simm.s32 $0x8400;
	v20 =	vld [tilespmem:s21+$0x0];
	v16 =	vmul.f32 v16, v9  }
0x5b: {  	s11 =	simm.s32 $0x10400;
	[tilespmem:s14+$0x80] =	vst v19;
	v19 =	vmul.f32 v17, v3  }
0x5c: {  	v17 =	vmul.f32 v17, v9;
	[tilespmem:s11+$0x80] =	vst v16  }
0x5d: {  	[tilespmem:s14+$0xFFFFFF00] =	vst v19;
	v16 =	vld [tilespmem:s21+$0x90];
	v19 =	vmul.f32 v18, v3  }
0x5e: {  	[tilespmem:s11+$0xFFFFFF00] =	vst v17;
	v17 =	vmul.f32 v18, v9  }
0x5f: {  	v21 =	vmul.f32 v20, v3;
	v18 =	vld [tilespmem:s21+$0xFFFFFF10];
	[tilespmem:s14+$0xFFFFFF80] =	vst v19  }
0x60: {  	v19 =	vmul.f32 v20, v9;
	[tilespmem:s11+$0xFFFFFF80] =	vst v17  }
0x61: {  	[tilespmem:s14+$0x0] =	vst v21;
	v17 =	vld [tilespmem:s21+$0xFFFFFF90]  }
0x62: {  	[tilespmem:s11+$0x0] =	vst v19;
	v20 =	vmul.f32 v16, v4  }
0x63: {  	v16 =	vmul.f32 v16, v11;
	v19 =	vld [tilespmem:s21+$0x10]  }
0x64: {  	v21 =	vmul.f32 v18, v4;
	[tilespmem:s14+$0x90] =	vst v20  }
0x65: {  	v18 =	vmul.f32 v18, v11;
	[tilespmem:s11+$0x90] =	vst v16  }
0x66: {  	[tilespmem:s14+$0xFFFFFF10] =	vst v21;
	v16 =	vld [tilespmem:s21+$0xA0];
	v20 =	vmul.f32 v17, v4  }
0x67: {  	v17 =	vmul.f32 v17, v11;
	[tilespmem:s11+$0xFFFFFF10] =	vst v18  }
0x68: {  	v18 =	vld [tilespmem:s21+$0xFFFFFF20];
	[tilespmem:s14+$0xFFFFFF90] =	vst v20;
	v20 =	vmul.f32 v19, v4  }
0x69: {  	v19 =	vmul.f32 v19, v11;
	[tilespmem:s11+$0xFFFFFF90] =	vst v17  }
0x6a: {  	v17 =	vld [tilespmem:s21+$0xFFFFFFA0];
	[tilespmem:s14+$0x10] =	vst v20  }
0x6b: {  	v20 =	vmul.f32 v16, v5;
	[tilespmem:s11+$0x10] =	vst v19  }
0x6c: {  	v16 =	vmul.f32 v16, v12;
	v19 =	vld [tilespmem:s21+$0x20]  }
0x6d: {  	v21 =	vmul.f32 v18, v5;
	[tilespmem:s14+$0xA0] =	vst v20  }
0x6e: {  	v18 =	vmul.f32 v18, v12;
	[tilespmem:s11+$0xA0] =	vst v16  }
0x6f: {  	[tilespmem:s14+$0xFFFFFF20] =	vst v21;
	v16 =	vld [tilespmem:s21+$0xB0];
	v20 =	vmul.f32 v17, v5  }
0x70: {  	v17 =	vmul.f32 v17, v12;
	[tilespmem:s11+$0xFFFFFF20] =	vst v18  }
0x71: {  	v18 =	vld [tilespmem:s21+$0xFFFFFF30];
	[tilespmem:s14+$0xFFFFFFA0] =	vst v20;
	v20 =	vmul.f32 v19, v5  }
0x72: {  	v19 =	vmul.f32 v19, v12;
	[tilespmem:s11+$0xFFFFFFA0] =	vst v17  }
0x73: {  	v17 =	vld [tilespmem:s21+$0xFFFFFFB0];
	[tilespmem:s14+$0x20] =	vst v20  }
0x74: {  	v20 =	vmul.f32 v16, v6;
	[tilespmem:s11+$0x20] =	vst v19  }
0x75: {  	v16 =	vmul.f32 v16, v13;
	v19 =	vld [tilespmem:s21+$0x30]  }
0x76: {  	v21 =	vmul.f32 v18, v6;
	[tilespmem:s14+$0xB0] =	vst v20  }
0x77: {  	v18 =	vmul.f32 v18, v13;
	[tilespmem:s11+$0xB0] =	vst v16  }
0x78: {  	[tilespmem:s14+$0xFFFFFF30] =	vst v21;
	v16 =	vld [tilespmem:s21+$0xC0];
	v20 =	vmul.f32 v17, v6  }
0x79: {  	v17 =	vmul.f32 v17, v13;
	[tilespmem:s11+$0xFFFFFF30] =	vst v18  }
0x7a: {  	v18 =	vld [tilespmem:s21+$0xFFFFFF40];
	[tilespmem:s14+$0xFFFFFFB0] =	vst v20;
	v20 =	vmul.f32 v19, v6  }
0x7b: {  	v19 =	vmul.f32 v19, v13;
	[tilespmem:s11+$0xFFFFFFB0] =	vst v17  }
0x7c: {  	v17 =	vld [tilespmem:s21+$0xFFFFFFC0];
	[tilespmem:s14+$0x30] =	vst v20  }
0x7d: {  	v20 =	vmul.f32 v16, v7;
	[tilespmem:s11+$0x30] =	vst v19  }
0x7e: {  	v16 =	vmul.f32 v16, v14;
	v19 =	vld [tilespmem:s21+$0x40]  }
0x7f: {  	v21 =	vmul.f32 v18, v7;
	[tilespmem:s14+$0xC0] =	vst v20  }
0x80: {  	v18 =	vmul.f32 v18, v14;
	[tilespmem:s11+$0xC0] =	vst v16  }
0x81: {  	[tilespmem:s14+$0xFFFFFF40] =	vst v21;
	v16 =	vld [tilespmem:s21+$0xD0];
	v20 =	vmul.f32 v17, v7  }
0x82: {  	v17 =	vmul.f32 v17, v14;
	[tilespmem:s11+$0xFFFFFF40] =	vst v18  }
0x83: {  	v18 =	vld [tilespmem:s21+$0xFFFFFF50];
	[tilespmem:s14+$0xFFFFFFC0] =	vst v20;
	v20 =	vmul.f32 v19, v7  }
0x84: {  	v19 =	vmul.f32 v19, v14;
	[tilespmem:s11+$0xFFFFFFC0] =	vst v17  }
0x85: {  	v17 =	vld [tilespmem:s21+$0xFFFFFFD0];
	[tilespmem:s14+$0x40] =	vst v20  }
0x86: {  	v20 =	vmul.f32 v16, v8;
	[tilespmem:s11+$0x40] =	vst v19  }
0x87: {  	v16 =	vmul.f32 v16, v15;
	v19 =	vld [tilespmem:s21+$0x50]  }
0x88: {  	v21 =	vmul.f32 v18, v8;
	[tilespmem:s14+$0xD0] =	vst v20  }
0x89: {  	v18 =	vmul.f32 v18, v15;
	[tilespmem:s11+$0xD0] =	vst v16  }
0x8a: {  	[tilespmem:s14+$0xFFFFFF50] =	vst v21;
	v16 =	vld [tilespmem:s21+$0xE0];
	v20 =	vmul.f32 v17, v8  }
0x8b: {  	v17 =	vmul.f32 v17, v15;
	[tilespmem:s11+$0xFFFFFF50] =	vst v18  }
0x8c: {  	v21 =	vld [tilespmem:s21+$0xFFFFFF60];
	[tilespmem:s14+$0xFFFFFFD0] =	vst v20;
	v18 =	vmul.f32 v19, v8  }
0x8d: {  	v19 =	vmul.f32 v19, v15;
	[tilespmem:s11+$0xFFFFFFD0] =	vst v17  }
0x8e: {  	[tilespmem:s14+$0x50] =	vst v18;
	v18 =	vld [tilespmem:s21+$0xFFFFFFE0]  }
0x8f: {  	v22 =	vmul.f32 v16, v2;
	[tilespmem:s11+$0x50] =	vst v19  }
0x90: {  	s18 =	sshllo.u32 s16, $0x1;
	s10 =	simm.s32 $0x0;
	v19 =	vmul.f32 v16, v10;
	v17 =	vld [tilespmem:s21+$0x60]  }
0x91: {  	s4 =	simm.s32 $0x600;
	s9 =	simm.s32 $0x8400;
	s8 =	simm.s32 $0x10400;
	v20 =	vmul.f32 v21, v2;
	v16 =	vmul.f32 v21, v10;
	[tilespmem:s14+$0xE0] =	vst v22  }
.LBB2_6:
0x92: {  	v21 =	vld [tilespmem:s4+$0x80];
	[tilespmem:s11+$0xE0] =	vst v19  }
0x93: {  	[tilespmem:s14+$0xFFFFFF60] =	vst v20;
	v19 =	vmul.f32 v18, v2;
	v18 =	vmul.f32 v18, v10;
	v20 =	vld [tilespmem:s21+$0xF0]  }
0x94: {  	v22 =	vld [tilespmem:s4+$0xFFFFFF80];
	[tilespmem:s11+$0xFFFFFF60] =	vst v16  }
0x95: {  	v16 =	vld [tilespmem:s4+$0x0];
	[tilespmem:s14+$0xFFFFFFE0] =	vst v19;
	v19 =	vmul.f32 v17, v2;
	v17 =	vmul.f32 v17, v10  }
0x96: {  	v23 =	vld [tilespmem:s4+$0xFFFFFF00];
	[tilespmem:s11+$0xFFFFFFE0] =	vst v18  }
0x97: {  	v18 =	vmul.f32 v21, v3;
	v24 =	vld [tilespmem:s21+$0xFFFFFF70];
	[tilespmem:s14+$0x60] =	vst v19  }
0x98: {  	s14 =	sadd.s32 $0x200, s14;
	v19 =	vld [tilespmem:s21+$0xFFFFFFF0];
	[tilespmem:s11+$0x60] =	vst v17;
	v17 =	vmul.f32 v20, v0  }
0x99: {  	v20 =	vmul.f32 v20, v1;
	v25 =	vmul.f32 v22, v3;
	[tilespmem:s14+$0x80] =	vst v18;
	v18 =	vld [tilespmem:s21+$0x70];
	s21 =	smov.u32 s4  }
0x9a: {  	v21 =	vmul.f32 v21, v9;
	v22 =	vmul.f32 v22, v9;
	[tilespmem:s9+$0xF0] =	vst v17  }
0x9b: {  	s11 =	sadd.s32 $0x200, s11;
	v17 =	vmul.f32 v23, v3;
	v23 =	vmul.f32 v23, v9;
	[tilespmem:s8+$0xF0] =	vst v20  }
0x9c: {  	s10 =	sadd.s32 $0x4, s10;
	v26 =	vmul.f32 v16, v9;
	v20 =	vmul.f32 v16, v3;
	[tilespmem:s11+$0x80] =	vst v21  }
0x9d: {  	p2 =	slt.u32 s10, $0x7C;
	v27 =	vmul.f32 v24, v0;
	v24 =	vmul.f32 v24, v1;
	[tilespmem:s14+$0xFFFFFF00] =	vst v17;
	v21 =	vld [tilespmem:s4+$0x90]  }
0x9e: {  	[tilespmem:s11+$0xFFFFFF00] =	vst v23;
	v23 =	vmul.f32 v19, v0;
	v19 =	vmul.f32 v19, v1  }
0x9f: {  	v17 =	vmul.f32 v18, v0;
	v16 =	vmul.f32 v18, v1;
	v28 =	vld [tilespmem:s4+$0xFFFFFF10];
	[tilespmem:s14+$0xFFFFFF80] =	vst v25  }
0xa0: {  	[tilespmem:s11+$0xFFFFFF80] =	vst v22  }
0xa1: {  	v18 =	vld [tilespmem:s4+$0xFFFFFF90];
	[tilespmem:s14+$0x0] =	vst v20  }
0xa2: {  	[tilespmem:s11+$0x0] =	vst v26;
	v20 =	vmul.f32 v21, v4  }
0xa3: {  	v21 =	vmul.f32 v21, v11;
	v22 =	vld [tilespmem:s4+$0x10];
	[tilespmem:s9+$0xFFFFFF70] =	vst v27  }
0xa4: {  	v25 =	vmul.f32 v28, v4;
	v26 =	vmul.f32 v28, v11;
	[tilespmem:s14+$0x90] =	vst v20  }
0xa5: {  	[tilespmem:s11+$0x90] =	vst v21  }
0xa6: {  	[tilespmem:s14+$0xFFFFFF10] =	vst v25;
	v20 =	vmul.f32 v18, v4;
	v18 =	vmul.f32 v18, v11;
	v21 =	vld [tilespmem:s4+$0xA0]  }
0xa7: {  	[tilespmem:s11+$0xFFFFFF10] =	vst v26  }
0xa8: {  	v25 =	vld [tilespmem:s4+$0xFFFFFF20];
	[tilespmem:s14+$0xFFFFFF90] =	vst v20;
	v20 =	vmul.f32 v22, v4;
	v22 =	vmul.f32 v22, v11  }
0xa9: {  	[tilespmem:s11+$0xFFFFFF90] =	vst v18  }
0xaa: {  	v18 =	vld [tilespmem:s4+$0xFFFFFFA0];
	[tilespmem:s14+$0x10] =	vst v20  }
0xab: {  	[tilespmem:s11+$0x10] =	vst v22;
	v20 =	vmul.f32 v21, v5  }
0xac: {  	v21 =	vmul.f32 v21, v12;
	v22 =	vld [tilespmem:s4+$0x20];
	[tilespmem:s8+$0xFFFFFF70] =	vst v24  }
0xad: {  	v24 =	vmul.f32 v25, v5;
	v25 =	vmul.f32 v25, v12;
	[tilespmem:s14+$0xA0] =	vst v20  }
0xae: {  	[tilespmem:s11+$0xA0] =	vst v21  }
0xaf: {  	[tilespmem:s14+$0xFFFFFF20] =	vst v24;
	v20 =	vmul.f32 v18, v5;
	v18 =	vmul.f32 v18, v12;
	v21 =	vld [tilespmem:s4+$0xB0]  }
0xb0: {  	[tilespmem:s11+$0xFFFFFF20] =	vst v25  }
0xb1: {  	v24 =	vld [tilespmem:s4+$0xFFFFFF30];
	[tilespmem:s14+$0xFFFFFFA0] =	vst v20;
	v20 =	vmul.f32 v22, v5;
	v22 =	vmul.f32 v22, v12  }
0xb2: {  	[tilespmem:s11+$0xFFFFFFA0] =	vst v18  }
0xb3: {  	v18 =	vld [tilespmem:s4+$0xFFFFFFB0];
	[tilespmem:s14+$0x20] =	vst v20  }
0xb4: {  	[tilespmem:s11+$0x20] =	vst v22;
	v20 =	vmul.f32 v21, v6  }
0xb5: {  	v21 =	vmul.f32 v21, v13;
	v22 =	vld [tilespmem:s4+$0x30];
	[tilespmem:s9+$0xFFFFFFF0] =	vst v23  }
0xb6: {  	v23 =	vmul.f32 v24, v6;
	v24 =	vmul.f32 v24, v13;
	[tilespmem:s14+$0xB0] =	vst v20  }
0xb7: {  	[tilespmem:s11+$0xB0] =	vst v21  }
0xb8: {  	[tilespmem:s14+$0xFFFFFF30] =	vst v23;
	v20 =	vmul.f32 v18, v6;
	v18 =	vmul.f32 v18, v13;
	v21 =	vld [tilespmem:s4+$0xC0]  }
0xb9: {  	[tilespmem:s11+$0xFFFFFF30] =	vst v24  }
0xba: {  	v23 =	vld [tilespmem:s4+$0xFFFFFF40];
	[tilespmem:s14+$0xFFFFFFB0] =	vst v20;
	v20 =	vmul.f32 v22, v6;
	v22 =	vmul.f32 v22, v13  }
0xbb: {  	[tilespmem:s11+$0xFFFFFFB0] =	vst v18  }
0xbc: {  	v18 =	vld [tilespmem:s4+$0xFFFFFFC0];
	[tilespmem:s14+$0x30] =	vst v20  }
0xbd: {  	[tilespmem:s11+$0x30] =	vst v22;
	v20 =	vmul.f32 v21, v7  }
0xbe: {  	v21 =	vmul.f32 v21, v14;
	v22 =	vld [tilespmem:s4+$0x40];
	[tilespmem:s8+$0xFFFFFFF0] =	vst v19  }
0xbf: {  	v19 =	vmul.f32 v23, v7;
	v23 =	vmul.f32 v23, v14;
	[tilespmem:s14+$0xC0] =	vst v20  }
0xc0: {  	[tilespmem:s11+$0xC0] =	vst v21  }
0xc1: {  	[tilespmem:s14+$0xFFFFFF40] =	vst v19;
	v19 =	vmul.f32 v18, v7;
	v18 =	vmul.f32 v18, v14;
	v20 =	vld [tilespmem:s4+$0xD0]  }
0xc2: {  	[tilespmem:s11+$0xFFFFFF40] =	vst v23  }
0xc3: {  	v21 =	vld [tilespmem:s4+$0xFFFFFF50];
	[tilespmem:s14+$0xFFFFFFC0] =	vst v19;
	v19 =	vmul.f32 v22, v7;
	v22 =	vmul.f32 v22, v14  }
0xc4: {  	[tilespmem:s11+$0xFFFFFFC0] =	vst v18  }
0xc5: {  	v18 =	vld [tilespmem:s4+$0xFFFFFFD0];
	[tilespmem:s14+$0x40] =	vst v19  }
0xc6: {  	[tilespmem:s11+$0x40] =	vst v22;
	v19 =	vmul.f32 v20, v8  }
0xc7: {  	v20 =	vmul.f32 v20, v15;
	v22 =	vld [tilespmem:s4+$0x50];
	[tilespmem:s9+$0x70] =	vst v17;
	s9 =	smov.u32 s14  }
0xc8: {  	v17 =	vmul.f32 v21, v8;
	v21 =	vmul.f32 v21, v15;
	[tilespmem:s14+$0xD0] =	vst v19  }
0xc9: {  	[tilespmem:s11+$0xD0] =	vst v20  }
0xca: {  	[tilespmem:s14+$0xFFFFFF50] =	vst v17;
	v17 =	vmul.f32 v18, v8;
	v18 =	vmul.f32 v18, v15;
	v19 =	vld [tilespmem:s4+$0xE0]  }
0xcb: {  	[tilespmem:s11+$0xFFFFFF50] =	vst v21  }
0xcc: {  	v21 =	vld [tilespmem:s4+$0xFFFFFF60];
	[tilespmem:s14+$0xFFFFFFD0] =	vst v17;
	v17 =	vmul.f32 v22, v8;
	v20 =	vmul.f32 v22, v15  }
.Ltmp2:
0xcd: {  	[tilespmem:s11+$0xFFFFFFD0] =	vst v18;
	(pc) =	sbr.rel @p2 .LBB2_6-.Ltmp2, $4  }
0xce: {  	v18 =	vld [tilespmem:s4+$0xFFFFFFE0];
	[tilespmem:s14+$0x50] =	vst v17  }
0xcf: {  	[tilespmem:s11+$0x50] =	vst v20;
	v22 =	vmul.f32 v19, v2  }
0xd0: {  	v19 =	vmul.f32 v19, v10;
	v17 =	vld [tilespmem:s4+$0x60];
	[tilespmem:s8+$0x70] =	vst v16;
	s8 =	smov.u32 s11  }
0xd1: {  	s4 =	sadd.s32 $0x200, s4;
	v20 =	vmul.f32 v21, v2;
	v16 =	vmul.f32 v21, v10;
	[tilespmem:s14+$0xE0] =	vst v22  }
0xd2: {  	[tilespmem:s11+$0xE0] =	vst v19  }
0xd3: {  	[tilespmem:s14+$0xFFFFFF60] =	vst v20;
	v3 =	vmul.f32 v18, v2;
	v4 =	vld [tilespmem:s21+$0xF0]  }
0xd4: {  	v5 =	vmul.f32 v18, v10;
	[tilespmem:s11+$0xFFFFFF60] =	vst v16  }
0xd5: {  	[tilespmem:s14+$0xFFFFFFE0] =	vst v3;
	v2 =	vmul.f32 v17, v2;
	v3 =	vld [tilespmem:s21+$0xFFFFFF70]  }
0xd6: {  	v6 =	vmul.f32 v17, v10;
	[tilespmem:s11+$0xFFFFFFE0] =	vst v5  }
0xd7: {  	[tilespmem:s14+$0x60] =	vst v2;
	v2 =	vld [tilespmem:s21+$0xFFFFFFF0]  }
0xd8: {  	[tilespmem:s11+$0x60] =	vst v6;
	v5 =	vmul.f32 v4, v0  }
0xd9: {  	v4 =	vmul.f32 v4, v1;
	v6 =	vld [tilespmem:s21+$0x70]  }
0xda: {  	s4 =	sadd.s32 s5, s19;
	[tilespmem:s9+$0xF0] =	vst v5;
	v5 =	vmul.f32 v3, v0  }
0xdb: {  	s10 =	sand.u32 $0x6, s4;
	v3 =	vmul.f32 v3, v1;
	[tilespmem:s8+$0xF0] =	vst v4  }
0xdc: {  	s4 =	sshll.u32 s4, $0x4;
	s10 =	smul.u32 $0x320000, s10;
	v4 =	vmul.f32 v2, v0;
	[tilespmem:s9+$0xFFFFFF70] =	vst v5  }
0xdd: {  	s21 =	sand.u32 $0x7FFFFC00, s4;
	v2 =	vmul.f32 v2, v1;
	[tilespmem:s8+$0xFFFFFF70] =	vst v3  }
0xde: {  	s4 =	sand.u32 $0x380, s4;
	s10 =	sadd.s32 s21, s10;
	v0 =	vmul.f32 v6, v0;
	[tilespmem:s9+$0xFFFFFFF0] =	vst v4  }
0xdf: {  	s4 =	sor.u32 s4, s10;
	v1 =	vmul.f32 v6, v1;
	[tilespmem:s8+$0xFFFFFFF0] =	vst v2  }
0xe0: {  	s14 =	sshrl.u32 s4, $0x3;
	s4 =	sadd.s32 $0x1900000, s4;
	[tilespmem:s9+$0x70] =	vst v0  }
0xe1: {  	s21 =	sadd.s32 s3, s14;
	s4 =	sshrl.u32 s4, $0x3;
	[tilespmem:s8+$0x70] =	vst v1  }
0xe2: {  	[hbm4b:s21+s17] =	stream.strided.scatter [tilespmem:s26], [sflag:$0x5], $0x4000, s25, s17, $0x38;
	[tilespmem:$0x18300] =	vst v63  }
0xe3: {  	s4 =	sadd.s32 s3, s4  }
0xe4: {  	[hbm4b:s4+s17] =	stream.strided.scatter [tilespmem:s28], [sflag:$0x5], $0x4000, s25, s17, $0x38;
	[tilespmem:$0x18300] =	vst v63  }
0xe5: {  	s4 =	simm.s32 @!p0 $0x3  }
0xe6: {  	_ =	swait.ge @!p0 [sflag:s4], $0x80  }
0xe7: {  	[sflag:s4] =	ssyncset.done @!p0 $0x0  }
0xe8: {  	[sflag:s4] =	ssyncadd.s32 @!p0 $0xFFFFFF80  }
0xe9: {  	_ =	swait.ge @!p0 [sflag:s4], $0x80  }
0xea: {  	[sflag:s4] =	ssyncset.done @!p0 $0x0  }
0xeb: {  	[sflag:s4] =	ssyncadd.s32 @!p0 $0xFFFFFF80  }
0xec: {  	_ =	swait.ge @!p0 [sflag:s4], $0x80  }
0xed: {  	s9 =	simm.s32 @!p0 $0x300;
	[sflag:s4] =	ssyncset.done @!p0 $0x0  }
0xee: {  	s8 =	simm.s32 @!p0 $0x0;
	[sflag:s4] =	ssyncadd.s32 @!p0 $0xFFFFFF80;
	s4 =	simm.s32 @!p0 $0x80  }
0xef: {  	[tilespmem:s9], [sflag:$0x1] =	stream.indirect.gather @!p0 [hbm4b:s2+s4], $0x80, s8, s4, $0xb8;
	[tilespmem:$0x18300] =	vst v63  }
0xf0: {  	_ =	swait.ge [sflag:s29], $0x4000  }
0xf1: {  	[sflag:s29] =	ssyncset.done $0x0  }
0xf2: {  	[sflag:s29] =	ssyncadd.s32 $0xFFFFC000  }
0xf3: {  	v3 =	vld [tilespmem:$0x180]  }
0xf4: {  	v4 =	vld [tilespmem:$0x190]  }
0xf5: {  	v5 =	vld [tilespmem:$0x1A0]  }
0xf6: {  	v6 =	vld [tilespmem:$0x1B0]  }
0xf7: {  	v7 =	vld [tilespmem:$0x1C0]  }
0xf8: {  	v8 =	vld [tilespmem:$0x1D0]  }
0xf9: {  	v2 =	vld [tilespmem:$0x1E0]  }
0xfa: {  	v0 =	vld [tilespmem:$0x1F0]  }
0xfb: {  	v10 =	vld [tilespmem:$0x280]  }
0xfc: {  	v11 =	vld [tilespmem:$0x290]  }
0xfd: {  	s9 =	sadd.s32 @!p0 s19, s13;
	v12 =	vld [tilespmem:$0x2A0]  }
0xfe: {  	s10 =	sshll.u32 @!p0 s9, $0x4;
	v13 =	vld [tilespmem:$0x2B0]  }
0xff: {  	s11 =	sand.u32 @!p0 $0x70, s10;
	v14 =	vld [tilespmem:$0x2C0]  }
0x100: {  	s10 =	sand.u32 @!p0 $0x7FFFFF80, s10;
	s11 =	sadd.s32 @!p0 s6, s11;
	v15 =	vld [tilespmem:$0x2D0]  }
0x101: {  	v9 =	vld [tilespmem:$0x2E0];
	s11 =	sadd.s32 @!p0 s10, s11  }
0x102: {  	v1 =	vld [tilespmem:$0x2F0];
	[tilespmem:s4], [sflag:$0x4] =	stream.linear.gather @!p0 [hbm4b:s11+s8], $0x80, $0x38  }
0x103: {  	s4 =	sshll.u32 @!p0 s9, $0x1  }
0x104: {  	s4 =	sand.u32 @!p0 $0xFFFFFF0, s4  }
0x105: {  	s9 =	simm.s32 @!p0 $0x180;
	s4 =	sadd.s32 @!p0 s7, s4  }
0x106: {  	[tilespmem:s9], [sflag:$0x4] =	stream.linear.gather @!p0 [hbm4b:s4+s8], $0x80, $0x38;
	[tilespmem:$0x18300] =	vst v63  }
0x107: {  	s4 =	sadd.s32 @!p0 $0x6400, s10  }
0x108: {  	s4 =	sshrl.u32 @!p0 s4, $0x3  }
0x109: {  	s9 =	simm.s32 @!p0 $0x280;
	s4 =	sadd.s32 @!p0 s7, s4  }
0x10a: {  	[tilespmem:s9], [sflag:$0x4] =	stream.linear.gather @!p0 [hbm4b:s4+s8], $0x80, $0x38;
	[tilespmem:$0x18300] =	vst v63  }
0x10b: {  	p0 =	por p0, !p1  }
0x10c: {  	_ =	swait.ge @p0 [sflag:s1], $0x4000  }
0x10d: {  	[sflag:s1] =	ssyncset.done @p0 $0x0  }
0x10e: {  	[sflag:s1] =	ssyncadd.s32 @p0 $0xFFFFC000  }
0x10f: {  	_ =	swait.ge @p0 [sflag:s1], $0x4000  }
0x110: {  	[sflag:s1] =	ssyncset.done @p0 $0x0  }
0x111: {  	s19 =	simm.s32 $0x4400;
	[sflag:s1] =	ssyncadd.s32 @p0 $0xFFFFC000  }
0x112: {  	v16 =	vld [tilespmem:s19+$0x80];
	_ =	sdelay $0x1  }
0x113: {  	v17 =	vld [tilespmem:s19+$0xFFFFFF00];
	_ =	sdelay $0x1  }
0x114: {  	v18 =	vld [tilespmem:s19+$0xFFFFFF80]  }
0x115: {  	v19 =	vmul.f32 v16, v3  }
0x116: {  	s14 =	simm.s32 $0xC400;
	v20 =	vld [tilespmem:s19+$0x0];
	v16 =	vmul.f32 v16, v10  }
0x117: {  	s11 =	simm.s32 $0x14400;
	[tilespmem:s14+$0x80] =	vst v19;
	v19 =	vmul.f32 v17, v3  }
0x118: {  	v17 =	vmul.f32 v17, v10;
	[tilespmem:s11+$0x80] =	vst v16  }
0x119: {  	[tilespmem:s14+$0xFFFFFF00] =	vst v19;
	v16 =	vld [tilespmem:s19+$0x90];
	v19 =	vmul.f32 v18, v3  }
0x11a: {  	[tilespmem:s11+$0xFFFFFF00] =	vst v17;
	v17 =	vmul.f32 v18, v10  }
0x11b: {  	v21 =	vmul.f32 v20, v3;
	v18 =	vld [tilespmem:s19+$0xFFFFFF10];
	[tilespmem:s14+$0xFFFFFF80] =	vst v19  }
0x11c: {  	v19 =	vmul.f32 v20, v10;
	[tilespmem:s11+$0xFFFFFF80] =	vst v17  }
0x11d: {  	[tilespmem:s14+$0x0] =	vst v21;
	v17 =	vld [tilespmem:s19+$0xFFFFFF90]  }
0x11e: {  	[tilespmem:s11+$0x0] =	vst v19;
	v20 =	vmul.f32 v16, v4  }
0x11f: {  	v16 =	vmul.f32 v16, v11;
	v19 =	vld [tilespmem:s19+$0x10]  }
0x120: {  	v21 =	vmul.f32 v18, v4;
	[tilespmem:s14+$0x90] =	vst v20  }
0x121: {  	v18 =	vmul.f32 v18, v11;
	[tilespmem:s11+$0x90] =	vst v16  }
0x122: {  	[tilespmem:s14+$0xFFFFFF10] =	vst v21;
	v16 =	vld [tilespmem:s19+$0xA0];
	v20 =	vmul.f32 v17, v4  }
0x123: {  	v17 =	vmul.f32 v17, v11;
	[tilespmem:s11+$0xFFFFFF10] =	vst v18  }
0x124: {  	v18 =	vld [tilespmem:s19+$0xFFFFFF20];
	[tilespmem:s14+$0xFFFFFF90] =	vst v20;
	v20 =	vmul.f32 v19, v4  }
0x125: {  	v19 =	vmul.f32 v19, v11;
	[tilespmem:s11+$0xFFFFFF90] =	vst v17  }
0x126: {  	v17 =	vld [tilespmem:s19+$0xFFFFFFA0];
	[tilespmem:s14+$0x10] =	vst v20  }
0x127: {  	v20 =	vmul.f32 v16, v5;
	[tilespmem:s11+$0x10] =	vst v19  }
0x128: {  	v16 =	vmul.f32 v16, v12;
	v19 =	vld [tilespmem:s19+$0x20]  }
0x129: {  	v21 =	vmul.f32 v18, v5;
	[tilespmem:s14+$0xA0] =	vst v20  }
0x12a: {  	v18 =	vmul.f32 v18, v12;
	[tilespmem:s11+$0xA0] =	vst v16  }
0x12b: {  	[tilespmem:s14+$0xFFFFFF20] =	vst v21;
	v16 =	vld [tilespmem:s19+$0xB0];
	v20 =	vmul.f32 v17, v5  }
0x12c: {  	v17 =	vmul.f32 v17, v12;
	[tilespmem:s11+$0xFFFFFF20] =	vst v18  }
0x12d: {  	v18 =	vld [tilespmem:s19+$0xFFFFFF30];
	[tilespmem:s14+$0xFFFFFFA0] =	vst v20;
	v20 =	vmul.f32 v19, v5  }
0x12e: {  	v19 =	vmul.f32 v19, v12;
	[tilespmem:s11+$0xFFFFFFA0] =	vst v17  }
0x12f: {  	v17 =	vld [tilespmem:s19+$0xFFFFFFB0];
	[tilespmem:s14+$0x20] =	vst v20  }
0x130: {  	v20 =	vmul.f32 v16, v6;
	[tilespmem:s11+$0x20] =	vst v19  }
0x131: {  	v16 =	vmul.f32 v16, v13;
	v19 =	vld [tilespmem:s19+$0x30]  }
0x132: {  	v21 =	vmul.f32 v18, v6;
	[tilespmem:s14+$0xB0] =	vst v20  }
0x133: {  	v18 =	vmul.f32 v18, v13;
	[tilespmem:s11+$0xB0] =	vst v16  }
0x134: {  	[tilespmem:s14+$0xFFFFFF30] =	vst v21;
	v16 =	vld [tilespmem:s19+$0xC0];
	v20 =	vmul.f32 v17, v6  }
0x135: {  	v17 =	vmul.f32 v17, v13;
	[tilespmem:s11+$0xFFFFFF30] =	vst v18  }
0x136: {  	v18 =	vld [tilespmem:s19+$0xFFFFFF40];
	[tilespmem:s14+$0xFFFFFFB0] =	vst v20;
	v20 =	vmul.f32 v19, v6  }
0x137: {  	v19 =	vmul.f32 v19, v13;
	[tilespmem:s11+$0xFFFFFFB0] =	vst v17  }
0x138: {  	v17 =	vld [tilespmem:s19+$0xFFFFFFC0];
	[tilespmem:s14+$0x30] =	vst v20  }
0x139: {  	v20 =	vmul.f32 v16, v7;
	[tilespmem:s11+$0x30] =	vst v19  }
0x13a: {  	v16 =	vmul.f32 v16, v14;
	v19 =	vld [tilespmem:s19+$0x40]  }
0x13b: {  	v21 =	vmul.f32 v18, v7;
	[tilespmem:s14+$0xC0] =	vst v20  }
0x13c: {  	v18 =	vmul.f32 v18, v14;
	[tilespmem:s11+$0xC0] =	vst v16  }
0x13d: {  	[tilespmem:s14+$0xFFFFFF40] =	vst v21;
	v16 =	vld [tilespmem:s19+$0xD0];
	v20 =	vmul.f32 v17, v7  }
0x13e: {  	v17 =	vmul.f32 v17, v14;
	[tilespmem:s11+$0xFFFFFF40] =	vst v18  }
0x13f: {  	v18 =	vld [tilespmem:s19+$0xFFFFFF50];
	[tilespmem:s14+$0xFFFFFFC0] =	vst v20;
	v20 =	vmul.f32 v19, v7  }
0x140: {  	v19 =	vmul.f32 v19, v14;
	[tilespmem:s11+$0xFFFFFFC0] =	vst v17  }
0x141: {  	v17 =	vld [tilespmem:s19+$0xFFFFFFD0];
	[tilespmem:s14+$0x40] =	vst v20  }
0x142: {  	v20 =	vmul.f32 v16, v8;
	[tilespmem:s11+$0x40] =	vst v19  }
0x143: {  	v16 =	vmul.f32 v16, v15;
	v19 =	vld [tilespmem:s19+$0x50]  }
0x144: {  	v21 =	vmul.f32 v18, v8;
	[tilespmem:s14+$0xD0] =	vst v20  }
0x145: {  	v18 =	vmul.f32 v18, v15;
	[tilespmem:s11+$0xD0] =	vst v16  }
0x146: {  	[tilespmem:s14+$0xFFFFFF50] =	vst v21;
	v16 =	vld [tilespmem:s19+$0xE0];
	v20 =	vmul.f32 v17, v8  }
0x147: {  	v17 =	vmul.f32 v17, v15;
	[tilespmem:s11+$0xFFFFFF50] =	vst v18  }
0x148: {  	v21 =	vld [tilespmem:s19+$0xFFFFFF60];
	[tilespmem:s14+$0xFFFFFFD0] =	vst v20;
	v18 =	vmul.f32 v19, v8  }
0x149: {  	v19 =	vmul.f32 v19, v15;
	[tilespmem:s11+$0xFFFFFFD0] =	vst v17  }
0x14a: {  	[tilespmem:s14+$0x50] =	vst v18;
	v18 =	vld [tilespmem:s19+$0xFFFFFFE0]  }
0x14b: {  	v22 =	vmul.f32 v16, v2;
	[tilespmem:s11+$0x50] =	vst v19  }
0x14c: {  	s10 =	simm.s32 $0x0;
	v19 =	vmul.f32 v16, v9;
	v17 =	vld [tilespmem:s19+$0x60]  }
0x14d: {  	s4 =	simm.s32 $0x4600;
	s9 =	simm.s32 $0xC400;
	s8 =	simm.s32 $0x14400;
	v20 =	vmul.f32 v21, v2;
	v16 =	vmul.f32 v21, v9;
	[tilespmem:s14+$0xE0] =	vst v22  }
.LBB2_8:
0x14e: {  	v21 =	vld [tilespmem:s4+$0x80];
	[tilespmem:s11+$0xE0] =	vst v19  }
0x14f: {  	[tilespmem:s14+$0xFFFFFF60] =	vst v20;
	v19 =	vmul.f32 v18, v2;
	v18 =	vmul.f32 v18, v9;
	v20 =	vld [tilespmem:s19+$0xF0]  }
0x150: {  	v22 =	vld [tilespmem:s4+$0xFFFFFF80];
	[tilespmem:s11+$0xFFFFFF60] =	vst v16  }
0x151: {  	v16 =	vld [tilespmem:s4+$0x0];
	[tilespmem:s14+$0xFFFFFFE0] =	vst v19;
	v19 =	vmul.f32 v17, v2;
	v17 =	vmul.f32 v17, v9  }
0x152: {  	v23 =	vld [tilespmem:s4+$0xFFFFFF00];
	[tilespmem:s11+$0xFFFFFFE0] =	vst v18  }
0x153: {  	v18 =	vmul.f32 v21, v3;
	v24 =	vld [tilespmem:s19+$0xFFFFFF70];
	[tilespmem:s14+$0x60] =	vst v19  }
0x154: {  	s14 =	sadd.s32 $0x200, s14;
	v19 =	vld [tilespmem:s19+$0xFFFFFFF0];
	[tilespmem:s11+$0x60] =	vst v17;
	v17 =	vmul.f32 v20, v0  }
0x155: {  	v20 =	vmul.f32 v20, v1;
	v25 =	vmul.f32 v22, v3;
	[tilespmem:s14+$0x80] =	vst v18;
	v18 =	vld [tilespmem:s19+$0x70];
	s19 =	smov.u32 s4  }
0x156: {  	v21 =	vmul.f32 v21, v10;
	v22 =	vmul.f32 v22, v10;
	[tilespmem:s9+$0xF0] =	vst v17  }
0x157: {  	s11 =	sadd.s32 $0x200, s11;
	v17 =	vmul.f32 v23, v3;
	v23 =	vmul.f32 v23, v10;
	[tilespmem:s8+$0xF0] =	vst v20  }
0x158: {  	s10 =	sadd.s32 $0x4, s10;
	v26 =	vmul.f32 v16, v10;
	v20 =	vmul.f32 v16, v3;
	[tilespmem:s11+$0x80] =	vst v21  }
0x159: {  	p0 =	slt.u32 s10, $0x7C;
	v27 =	vmul.f32 v24, v0;
	v24 =	vmul.f32 v24, v1;
	[tilespmem:s14+$0xFFFFFF00] =	vst v17;
	v21 =	vld [tilespmem:s4+$0x90]  }
0x15a: {  	[tilespmem:s11+$0xFFFFFF00] =	vst v23;
	v23 =	vmul.f32 v19, v0;
	v19 =	vmul.f32 v19, v1  }
0x15b: {  	v17 =	vmul.f32 v18, v0;
	v16 =	vmul.f32 v18, v1;
	v28 =	vld [tilespmem:s4+$0xFFFFFF10];
	[tilespmem:s14+$0xFFFFFF80] =	vst v25  }
0x15c: {  	[tilespmem:s11+$0xFFFFFF80] =	vst v22  }
0x15d: {  	v18 =	vld [tilespmem:s4+$0xFFFFFF90];
	[tilespmem:s14+$0x0] =	vst v20  }
0x15e: {  	[tilespmem:s11+$0x0] =	vst v26;
	v20 =	vmul.f32 v21, v4  }
0x15f: {  	v21 =	vmul.f32 v21, v11;
	v22 =	vld [tilespmem:s4+$0x10];
	[tilespmem:s9+$0xFFFFFF70] =	vst v27  }
0x160: {  	v25 =	vmul.f32 v28, v4;
	v26 =	vmul.f32 v28, v11;
	[tilespmem:s14+$0x90] =	vst v20  }
0x161: {  	[tilespmem:s11+$0x90] =	vst v21  }
0x162: {  	[tilespmem:s14+$0xFFFFFF10] =	vst v25;
	v20 =	vmul.f32 v18, v4;
	v18 =	vmul.f32 v18, v11;
	v21 =	vld [tilespmem:s4+$0xA0]  }
0x163: {  	[tilespmem:s11+$0xFFFFFF10] =	vst v26  }
0x164: {  	v25 =	vld [tilespmem:s4+$0xFFFFFF20];
	[tilespmem:s14+$0xFFFFFF90] =	vst v20;
	v20 =	vmul.f32 v22, v4;
	v22 =	vmul.f32 v22, v11  }
0x165: {  	[tilespmem:s11+$0xFFFFFF90] =	vst v18  }
0x166: {  	v18 =	vld [tilespmem:s4+$0xFFFFFFA0];
	[tilespmem:s14+$0x10] =	vst v20  }
0x167: {  	[tilespmem:s11+$0x10] =	vst v22;
	v20 =	vmul.f32 v21, v5  }
0x168: {  	v21 =	vmul.f32 v21, v12;
	v22 =	vld [tilespmem:s4+$0x20];
	[tilespmem:s8+$0xFFFFFF70] =	vst v24  }
0x169: {  	v24 =	vmul.f32 v25, v5;
	v25 =	vmul.f32 v25, v12;
	[tilespmem:s14+$0xA0] =	vst v20  }
0x16a: {  	[tilespmem:s11+$0xA0] =	vst v21  }
0x16b: {  	[tilespmem:s14+$0xFFFFFF20] =	vst v24;
	v20 =	vmul.f32 v18, v5;
	v18 =	vmul.f32 v18, v12;
	v21 =	vld [tilespmem:s4+$0xB0]  }
0x16c: {  	[tilespmem:s11+$0xFFFFFF20] =	vst v25  }
0x16d: {  	v24 =	vld [tilespmem:s4+$0xFFFFFF30];
	[tilespmem:s14+$0xFFFFFFA0] =	vst v20;
	v20 =	vmul.f32 v22, v5;
	v22 =	vmul.f32 v22, v12  }
0x16e: {  	[tilespmem:s11+$0xFFFFFFA0] =	vst v18  }
0x16f: {  	v18 =	vld [tilespmem:s4+$0xFFFFFFB0];
	[tilespmem:s14+$0x20] =	vst v20  }
0x170: {  	[tilespmem:s11+$0x20] =	vst v22;
	v20 =	vmul.f32 v21, v6  }
0x171: {  	v21 =	vmul.f32 v21, v13;
	v22 =	vld [tilespmem:s4+$0x30];
	[tilespmem:s9+$0xFFFFFFF0] =	vst v23  }
0x172: {  	v23 =	vmul.f32 v24, v6;
	v24 =	vmul.f32 v24, v13;
	[tilespmem:s14+$0xB0] =	vst v20  }
0x173: {  	[tilespmem:s11+$0xB0] =	vst v21  }
0x174: {  	[tilespmem:s14+$0xFFFFFF30] =	vst v23;
	v20 =	vmul.f32 v18, v6;
	v18 =	vmul.f32 v18, v13;
	v21 =	vld [tilespmem:s4+$0xC0]  }
0x175: {  	[tilespmem:s11+$0xFFFFFF30] =	vst v24  }
0x176: {  	v23 =	vld [tilespmem:s4+$0xFFFFFF40];
	[tilespmem:s14+$0xFFFFFFB0] =	vst v20;
	v20 =	vmul.f32 v22, v6;
	v22 =	vmul.f32 v22, v13  }
0x177: {  	[tilespmem:s11+$0xFFFFFFB0] =	vst v18  }
0x178: {  	v18 =	vld [tilespmem:s4+$0xFFFFFFC0];
	[tilespmem:s14+$0x30] =	vst v20  }
0x179: {  	[tilespmem:s11+$0x30] =	vst v22;
	v20 =	vmul.f32 v21, v7  }
0x17a: {  	v21 =	vmul.f32 v21, v14;
	v22 =	vld [tilespmem:s4+$0x40];
	[tilespmem:s8+$0xFFFFFFF0] =	vst v19  }
0x17b: {  	v19 =	vmul.f32 v23, v7;
	v23 =	vmul.f32 v23, v14;
	[tilespmem:s14+$0xC0] =	vst v20  }
0x17c: {  	[tilespmem:s11+$0xC0] =	vst v21  }
0x17d: {  	[tilespmem:s14+$0xFFFFFF40] =	vst v19;
	v19 =	vmul.f32 v18, v7;
	v18 =	vmul.f32 v18, v14;
	v20 =	vld [tilespmem:s4+$0xD0]  }
0x17e: {  	[tilespmem:s11+$0xFFFFFF40] =	vst v23  }
0x17f: {  	v21 =	vld [tilespmem:s4+$0xFFFFFF50];
	[tilespmem:s14+$0xFFFFFFC0] =	vst v19;
	v19 =	vmul.f32 v22, v7;
	v22 =	vmul.f32 v22, v14  }
0x180: {  	[tilespmem:s11+$0xFFFFFFC0] =	vst v18  }
0x181: {  	v18 =	vld [tilespmem:s4+$0xFFFFFFD0];
	[tilespmem:s14+$0x40] =	vst v19  }
0x182: {  	[tilespmem:s11+$0x40] =	vst v22;
	v19 =	vmul.f32 v20, v8  }
0x183: {  	v20 =	vmul.f32 v20, v15;
	v22 =	vld [tilespmem:s4+$0x50];
	[tilespmem:s9+$0x70] =	vst v17;
	s9 =	smov.u32 s14  }
0x184: {  	v17 =	vmul.f32 v21, v8;
	v21 =	vmul.f32 v21, v15;
	[tilespmem:s14+$0xD0] =	vst v19  }
0x185: {  	[tilespmem:s11+$0xD0] =	vst v20  }
0x186: {  	[tilespmem:s14+$0xFFFFFF50] =	vst v17;
	v17 =	vmul.f32 v18, v8;
	v18 =	vmul.f32 v18, v15;
	v19 =	vld [tilespmem:s4+$0xE0]  }
0x187: {  	[tilespmem:s11+$0xFFFFFF50] =	vst v21  }
0x188: {  	v21 =	vld [tilespmem:s4+$0xFFFFFF60];
	[tilespmem:s14+$0xFFFFFFD0] =	vst v17;
	v17 =	vmul.f32 v22, v8;
	v20 =	vmul.f32 v22, v15  }
.Ltmp3:
0x189: {  	[tilespmem:s11+$0xFFFFFFD0] =	vst v18;
	(pc) =	sbr.rel @p0 .LBB2_8-.Ltmp3, $4  }
0x18a: {  	v18 =	vld [tilespmem:s4+$0xFFFFFFE0];
	[tilespmem:s14+$0x50] =	vst v17  }
0x18b: {  	[tilespmem:s11+$0x50] =	vst v20;
	v22 =	vmul.f32 v19, v2  }
0x18c: {  	v19 =	vmul.f32 v19, v9;
	v17 =	vld [tilespmem:s4+$0x60];
	[tilespmem:s8+$0x70] =	vst v16;
	s8 =	smov.u32 s11  }
0x18d: {  	s4 =	sadd.s32 $0x200, s4;
	v20 =	vmul.f32 v21, v2;
	v16 =	vmul.f32 v21, v9;
	[tilespmem:s14+$0xE0] =	vst v22  }
0x18e: {  	[tilespmem:s11+$0xE0] =	vst v19  }
0x18f: {  	[tilespmem:s14+$0xFFFFFF60] =	vst v20;
	v3 =	vmul.f32 v18, v2;
	v4 =	vld [tilespmem:s19+$0xF0]  }
0x190: {  	v5 =	vmul.f32 v18, v9;
	[tilespmem:s11+$0xFFFFFF60] =	vst v16  }
0x191: {  	[tilespmem:s14+$0xFFFFFFE0] =	vst v3;
	v56 =	vmul.f32 v17, v2;
	v57 =	vld [tilespmem:s19+$0xFFFFFF70]  }
0x192: {  	v6 =	vmul.f32 v17, v9;
	[tilespmem:s11+$0xFFFFFFE0] =	vst v5  }
0x193: {  	[tilespmem:s14+$0x60] =	vst v56;
	v58 =	vld [tilespmem:s19+$0xFFFFFFF0]  }
0x194: {  	[tilespmem:s11+$0x60] =	vst v6;
	v59 =	vmul.f32 v4, v0  }
0x195: {  	v4 =	vmul.f32 v4, v1;
	v6 =	vld [tilespmem:s19+$0x70]  }
0x196: {  	s4 =	sadd.s32 s5, s18;
	[tilespmem:s9+$0xF0] =	vst v59;
	v60 =	vmul.f32 v57, v0  }
0x197: {  	s10 =	sand.u32 $0x7, s4;
	v3 =	vmul.f32 v57, v1;
	[tilespmem:s8+$0xF0] =	vst v4  }
0x198: {  	s4 =	sshll.u32 s4, $0x4;
	s10 =	smul.u32 $0x320000, s10;
	v61 =	vmul.f32 v58, v0;
	[tilespmem:s9+$0xFFFFFF70] =	vst v60  }
0x199: {  	s18 =	sand.u32 $0x7FFFFC00, s4;
	v2 =	vmul.f32 v58, v1;
	[tilespmem:s8+$0xFFFFFF70] =	vst v3  }
0x19a: {  	s16 =	sadd.s32 $0x1, s16;
	s4 =	sand.u32 $0x380, s4;
	s10 =	sadd.s32 s18, s10;
	v62 =	vmul.f32 v6, v0;
	[tilespmem:s9+$0xFFFFFFF0] =	vst v61  }
0x19b: {  	p0 =	sne.s32 s16, $0x19;
	s4 =	sor.u32 s4, s10;
	v63 =	vmul.f32 v6, v1;
	[tilespmem:s8+$0xFFFFFFF0] =	vst v2  }
.Ltmp4:
0x19c: {  	s19 =	sshrl.u32 s4, $0x3;
	s4 =	sadd.s32 $0x1900000, s4;
	[tilespmem:s9+$0x70] =	vst v62;
	(pc) =	sbr.rel @p0 .LBB2_2-.Ltmp4, $4  }
0x19d: {  	s21 =	sadd.s32 s3, s19;
	s4 =	sshrl.u32 s4, $0x3;
	[tilespmem:s8+$0x70] =	vst v63  }
0x19e: {  	[hbm4b:s21+s17] =	stream.strided.scatter [tilespmem:s30], [sflag:$0x6], $0x4000, s25, s17, $0x38;
	[tilespmem:$0x18300] =	vst v63  }
0x19f: {  	s4 =	sadd.s32 s3, s4  }
0x1a0: {  	[hbm4b:s4+s17] =	stream.strided.scatter [tilespmem:s31], [sflag:$0x6], $0x4000, s25, s17, $0x38;
	[tilespmem:$0x18300] =	vst v63  }
0x1a1: {  	_ =	swait.ge [sflag:s0], $0x4000  }
0x1a2: {  	[sflag:s0] =	ssyncset.done $0x0  }
0x1a3: {  	[sflag:s0] =	ssyncadd.s32 $0xFFFFC000  }
0x1a4: {  	_ =	swait.ge [sflag:s0], $0x4000  }
0x1a5: {  	[sflag:s0] =	ssyncset.done $0x0  }
0x1a6: {  	[sflag:s0] =	ssyncadd.s32 $0xFFFFC000  }
0x1a7: {  	_ =	swait.ge [sflag:s1], $0x4000  }
0x1a8: {  	[sflag:s1] =	ssyncset.done $0x0  }
0x1a9: {  	[sflag:s1] =	ssyncadd.s32 $0xFFFFC000  }
0x1aa: {  	_ =	swait.ge [sflag:s1], $0x4000  }
0x1ab: {  	s15 =	sadd.s32 $0x1, s15;
	s4 =	rddreg [dreg:$0x8]  }
0x1ac: {  	p0 =	sne.s32 s15, s4  }
.Ltmp5:
0x1ad: {  	_ = 	snop;
	(pc) =	sbr.rel @p0 .LBB2_1-.Ltmp5, $3  }
0x1ae: {  	_ =	sdelay $0x1  }
0x1af: {  	[sflag:s1] =	ssyncset.done $0x0  }
0x1b0: {  	[sflag:s1] =	ssyncadd.s32 $0xFFFFC000  }
0x1b1: {  	_ =	sfence.sel $0x180000  }
0x1b2: {  	[bflag:$0x0] =	sbarrier.arrive $0xFFFF  }
0x1b3: {  	_ =	strace $0x90000047  }
0x1b4: {  	s0 =	stileid.u32;
	[bflag:$0x2] =	sbarrier.arrive $0xFFFF  }
0x1b5: {  	p0 =	sne.s32 s0, $0x0;
	s0 =	rddreg [dreg:$0x3]  }
0x1b6: {  	s0 =	sadd.s32 @!p0 $0x100000, s0  }
0x1b7: {  	[sflag:s0] =	ssyncadd.tile.s32 @!p0 $0x1;
	_ =	shalt  }
.Lfunc_end2:
_tile_overlayer_lowered:
.L_overlay_start_2:
0x1b8: {  	(tag) =	ssettag $0x2  }
0x1b9: {  	s0 =	rddreg [dreg:$0x0];
	s2 =	stileid.u32  }
0x1ba: {  	s1 =	rddreg [dreg:$0x1];
	p0 =	sne.s32 s2, $0x0  }
0x1bb: {  	s3 =	rddreg [dreg:$0x2];
	[bflag:$0x3] =	sbarrier.arrive $0xFFFF;
	s2 =	simm.s32 @!p0 $0x1C07  }
0x1bc: {  	[timem:s3], [sflag:s2] =	dma.local @!p0 [hbm:s0], s1  }
0x1bd: {  	s0 =	simm.s32 @!p0 $0x7  }
0x1be: {  	_ =	swait.ge @!p0 [sflag:s0], s1  }
0x1bf: {  	s1 =	ssub.s32 @!p0 $0x0, s1;
	[sflag:s0] =	ssyncset.done @!p0 $0x0  }
0x1c0: {  	[sflag:s0] =	ssyncadd.s32 @!p0 s1  }
0x1c1: {  	[bflag:$0x3] =	sbarrier.arrive $0xFFFF  }
0x1c2: {  	_ =	shalt  }

</sc_bundles>
